<compile_context>
chip_gen: v7x
topology: tpu7x:2x2x1
jax: 0.10.2.dev20260603
libtpu: 0.0.44.dev20260713+nightly
codegen_flags: <defaults>
</compile_context>

<pallas_src>
import functools

import jax
import jax.numpy as jnp
from jax import lax
from jax.experimental import pallas as pl
from jax.experimental.pallas import tpu as pltpu
from jax.experimental.pallas import tpu_sc as plsc

_C = 8192
_N = 8192
_NW = 32
_TPW = _N // _NW
_K = 2
_NCH = _TPW // _K
_SL = _C // 16
_NCHT = _N // _K


def _sc_body(x4_hbm, y2_hbm, w_hbm, out_hbm, s_hbm, p_hbm,
             idx_v, y2_v, buf0_v, buf1_v, sacc_v, pacc_v,
             gsem0, gsem1, osem0, osem1):
    wid = lax.axis_index("s") * 2 + lax.axis_index("c")
    base = wid * _TPW
    cbase = wid * _NCH

    pltpu.sync_copy(x4_hbm.at[pl.ds(cbase, _NCH)], idx_v)
    pltpu.sync_copy(y2_hbm.at[pl.ds(cbase, _NCH)], y2_v)

    lane = lax.broadcasted_iota(jnp.int32, (16,), 0)
    lane_mod = jnp.bitwise_and(lane, _K - 1)
    gmask = lane < _K

    bufs = (buf0_v, buf1_v)
    gsems = (gsem0, gsem1)
    osems = (osem0, osem1)

    def gather_of(c, b):
        return pltpu.make_async_copy(
            w_hbm.at[idx_v.at[c]], bufs[b], gsems[b])

    def outcopy_of(c, b):
        return pltpu.make_async_copy(
            bufs[b], out_hbm.at[pl.ds(base + c * _K, _K)], osems[b])

    gather_of(0, 0).start()

    def pair_body(g, carry):
        for b in (0, 1):
            c = 2 * g + b
            if b == 0:
                @pl.when(g > 0)
                def _():
                    outcopy_of(c - 1, 1).wait()
                gather_of(c + 1, 1).start()
            else:
                outcopy_of(c - 1, 0).wait()

                @pl.when(g < (_NCH // 2 - 1))
                def _():
                    gather_of(c + 1, 0).start()

            gather_of(c, b).wait()

            def slice_body(t, accs):
                off = t * 16
                return tuple(
                    accs[r] + jnp.exp(bufs[b][r, pl.ds(off, 16)])
                    for r in range(_K))

            accs = lax.fori_loop(
                0, _SL, slice_body,
                tuple(jnp.zeros((16,), jnp.float32) for _ in range(_K)),
                unroll=8)
            for j in range(_K):
                sacc_v[c * _K + j] = accs[j]

            yv16 = y2_v[c]
            for r in range(_K):
                yr = yv16[r]
                off = pl.multiple_of(jnp.bitwise_and(yr, -16), 16)
                v = bufs[b][r, pl.ds(off, 16)]
                pacc_v[c * _K + r] = jnp.where(lane == (yr - off), v, 0.0)

            outcopy_of(c, b).start()
        return carry

    lax.fori_loop(0, _NCH // 2, pair_body, 0)

    outcopy_of(_NCH - 1, 1).wait()
    pltpu.sync_copy(sacc_v, s_hbm.at[pl.ds(base, _TPW)])
    pltpu.sync_copy(pacc_v, p_hbm.at[pl.ds(base, _TPW)])


def _loss_body(s_ref, p_ref, loss_ref):
    s = s_ref[...]
    lse_total = jnp.sum(jnp.log(jnp.sum(s, axis=1, keepdims=True)))
    p_total = jnp.sum(p_ref[...])
    loss_ref[...] = jnp.full((1, 1), (lse_total - p_total) / _N, jnp.float32)


def kernel(x, y, W):
    xf = x.reshape(-1).astype(jnp.int32)
    yf = y.reshape(-1).astype(jnp.int32)
    x4 = xf.reshape(_NCHT, _K)
    y2 = jnp.pad(yf.reshape(_NCHT, _K), ((0, 0), (0, 16 - _K)))

    sc = functools.partial(
        pl.kernel,
        mesh=plsc.VectorSubcoreMesh(core_axis_name="c", subcore_axis_name="s"),
        out_type=[
            jax.ShapeDtypeStruct((_N, _C), jnp.float32),
            jax.ShapeDtypeStruct((_N, 16), jnp.float32),
            jax.ShapeDtypeStruct((_N, 16), jnp.float32),
        ],
        scratch_types=[
            pltpu.VMEM((_NCH, _K), jnp.int32),
            pltpu.VMEM((_NCH, 16), jnp.int32),
            pltpu.VMEM((_K, _C), jnp.float32),
            pltpu.VMEM((_K, _C), jnp.float32),
            pltpu.VMEM((_TPW, 16), jnp.float32),
            pltpu.VMEM((_TPW, 16), jnp.float32),
            pltpu.SemaphoreType.DMA,
            pltpu.SemaphoreType.DMA,
            pltpu.SemaphoreType.DMA,
            pltpu.SemaphoreType.DMA,
        ],
    )(_sc_body)

    logits, s_part, p_part = sc(x4, y2, W)

    loss = pl.pallas_call(
        _loss_body,
        out_shape=jax.ShapeDtypeStruct((1, 1), jnp.float32),
        in_specs=[
            pl.BlockSpec((_N, 16), lambda: (0, 0)),
            pl.BlockSpec((_N, 16), lambda: (0, 0)),
        ],
        out_specs=pl.BlockSpec((1, 1), lambda: (0, 0)),
    )(s_part, p_part)

    return (logits, loss[0, 0].astype(jnp.float32))

# --- scband reference (transcript-rebuilt; emitter-appended) ---
"""Pipeline reference for scband-bigram-language-model-72052371358243 (READ-ONLY COPY).

The authoritative reference and input builder live on the scoring server;
editing this copy changes nothing except your own understanding.
"""

import jax, jax.numpy as jnp
import numpy as np

N_VOCAB = 8192
B, T = 4, 2048


def setup_inputs(seed: int = 0) -> dict:
    key = jax.random.key(seed)
    kx, ky, kw = jax.random.split(key, 3)
    x = jax.random.randint(kx, (B, T), 0, N_VOCAB)
    y = jax.random.randint(ky, (B, T), 0, N_VOCAB)
    W = jax.random.normal(kw, (N_VOCAB, N_VOCAB), dtype=jnp.float32) * 0.02
    return {"x": x, "y": y, "W": W}


def reference(x, y, W):
    # logits = self.embedding(x)  -> gather rows of the (n, n) table
    logits = jnp.take(W, x, axis=0)          # [B, T, C]
    Bs, Ts, C = logits.shape
    logits = logits.reshape(Bs * Ts, C)      # [B*T, C]
    # F.cross_entropy with mean reduction
    y_flat = y.reshape(-1)                   # [B*T]
    lse = jax.scipy.special.logsumexp(logits, axis=-1)   # [B*T]
    picked = jnp.take_along_axis(logits, y_flat[:, None], axis=-1)[:, 0]
    loss = jnp.mean(lse - picked)
    return (logits, loss)

if __name__ == "__main__":
    import jax
    _d = setup_inputs()
    print(jax.jit(kernel)(*tuple(_d.values())))

</pallas_src>

<mosaic_0001>
#map = affine_map<(d0, d1) -> (0, 0)>
module attributes {stable_mosaic.version = 14 : i64} {
  func.func @_sc_body(%arg0: i32, %arg1: i32, %arg2: memref<4096x2xi32, #tpu.memory_space<hbm>>, %arg3: memref<4096x16xi32, #tpu.memory_space<hbm>>, %arg4: memref<8192x8192xf32, #tpu.memory_space<hbm>>, %arg5: memref<8192x8192xf32, #tpu.memory_space<hbm>>, %arg6: memref<8192x16xf32, #tpu.memory_space<hbm>>, %arg7: memref<8192x16xf32, #tpu.memory_space<hbm>>, %arg8: memref<128x2xi32, #tpu.memory_space<vmem>>, %arg9: memref<128x16xi32, #tpu.memory_space<vmem>>, %arg10: memref<2x8192xf32, #tpu.memory_space<vmem>>, %arg11: memref<2x8192xf32, #tpu.memory_space<vmem>>, %arg12: memref<256x16xf32, #tpu.memory_space<vmem>>, %arg13: memref<256x16xf32, #tpu.memory_space<vmem>>, %arg14: memref<!tpu.dma_semaphore, #tpu.memory_space<semaphore_mem>>, %arg15: memref<!tpu.dma_semaphore, #tpu.memory_space<semaphore_mem>>, %arg16: memref<!tpu.dma_semaphore, #tpu.memory_space<semaphore_mem>>, %arg17: memref<!tpu.dma_semaphore, #tpu.memory_space<semaphore_mem>>) attributes {dimension_semantics = [#tpu.dimension_semantics<core_parallel>, #tpu.dimension_semantics<subcore_parallel>], iteration_bounds = array<i64: 2, 16>, scalar_prefetch = 0 : i64, scratch_operands = 10 : i64, tpu.core_type = #tpu.core_type<sc_vector_subcore>, window_params = [{transform_indices = #map}, {transform_indices = #map}, {transform_indices = #map}, {transform_indices = #map}, {transform_indices = #map}, {transform_indices = #map}]} {
    %mul3A = arith.constant 2 : i32
    %mul3A_0 = arith.muli %arg1, %mul3A : i32
    %add3A = arith.addi %mul3A_0, %arg0 : i32
    %mul3A_1 = arith.constant 256 : i32
    %mul3A_2 = arith.muli %add3A, %mul3A_1 : i32
    %mul3A_3 = arith.constant 128 : i32
    %mul3A_4 = arith.muli %add3A, %mul3A_3 : i32
    "tpu.region"() ({
      %run_scoped3A = tpu.sem_alloc : memref<!tpu.dma_semaphore, #tpu.memory_space<semaphore_mem>>
      %dma_start3A_25 = arith.constant 0 : i32
      %dma_start3A_26 = tpu.memref_slice %arg2[%mul3A_4, %dma_start3A_25] : memref<4096x2xi32, #tpu.memory_space<hbm>> -> memref<128x2xi32, #tpu.memory_space<hbm>>
      %dma_start3A_27 = arith.constant 0 : i32
      %dma_start3A_28 = tpu.memref_slice %arg2[%mul3A_4, %dma_start3A_27] : memref<4096x2xi32, #tpu.memory_space<hbm>> -> memref<128x2xi32, #tpu.memory_space<hbm>>
      tpu.enqueue_dma source(%dma_start3A_28 : memref<128x2xi32, #tpu.memory_space<hbm>>) target(%arg8 : memref<128x2xi32, #tpu.memory_space<vmem>>) target_semaphore(%run_scoped3A : memref<!tpu.dma_semaphore, #tpu.memory_space<semaphore_mem>>)
      %dma_wait3A_29 = arith.constant 0 : i32
      %dma_wait3A_30 = tpu.memref_slice %arg2[%mul3A_4, %dma_wait3A_29] : memref<4096x2xi32, #tpu.memory_space<hbm>> -> memref<128x2xi32, #tpu.memory_space<hbm>>
      %dma_wait3A_31 = arith.constant 0 : i32
      %dma_wait3A_32 = tpu.memref_slice %arg2[%mul3A_4, %dma_wait3A_31] : memref<4096x2xi32, #tpu.memory_space<hbm>> -> memref<128x2xi32, #tpu.memory_space<hbm>>
      tpu.wait_dma2 semaphore(%run_scoped3A : memref<!tpu.dma_semaphore, #tpu.memory_space<semaphore_mem>>) src(%dma_wait3A_32 : memref<128x2xi32, #tpu.memory_space<hbm>>) dst(%arg8 : memref<128x2xi32, #tpu.memory_space<vmem>>)
      tpu.yield
    }) : () -> ()
    "tpu.region"() ({
      %run_scoped3A = tpu.sem_alloc : memref<!tpu.dma_semaphore, #tpu.memory_space<semaphore_mem>>
      %dma_start3A_25 = arith.constant 0 : i32
      %dma_start3A_26 = tpu.memref_slice %arg3[%mul3A_4, %dma_start3A_25] : memref<4096x16xi32, #tpu.memory_space<hbm>> -> memref<128x16xi32, #tpu.memory_space<hbm>>
      %dma_start3A_27 = arith.constant 0 : i32
      %dma_start3A_28 = tpu.memref_slice %arg3[%mul3A_4, %dma_start3A_27] : memref<4096x16xi32, #tpu.memory_space<hbm>> -> memref<128x16xi32, #tpu.memory_space<hbm>>
      tpu.enqueue_dma source(%dma_start3A_28 : memref<128x16xi32, #tpu.memory_space<hbm>>) target(%arg9 : memref<128x16xi32, #tpu.memory_space<vmem>>) target_semaphore(%run_scoped3A : memref<!tpu.dma_semaphore, #tpu.memory_space<semaphore_mem>>)
      %dma_wait3A_29 = arith.constant 0 : i32
      %dma_wait3A_30 = tpu.memref_slice %arg3[%mul3A_4, %dma_wait3A_29] : memref<4096x16xi32, #tpu.memory_space<hbm>> -> memref<128x16xi32, #tpu.memory_space<hbm>>
      %dma_wait3A_31 = arith.constant 0 : i32
      %dma_wait3A_32 = tpu.memref_slice %arg3[%mul3A_4, %dma_wait3A_31] : memref<4096x16xi32, #tpu.memory_space<hbm>> -> memref<128x16xi32, #tpu.memory_space<hbm>>
      tpu.wait_dma2 semaphore(%run_scoped3A : memref<!tpu.dma_semaphore, #tpu.memory_space<semaphore_mem>>) src(%dma_wait3A_32 : memref<128x16xi32, #tpu.memory_space<hbm>>) dst(%arg9 : memref<128x16xi32, #tpu.memory_space<vmem>>)
      tpu.yield
    }) : () -> ()
    %iota3A = tpu.iota {dimensions = array<i32: 0>} : vector<16xi32>
    %and3A = arith.constant 1 : i32
    %and3A_5 = vector.broadcast %and3A : i32 to vector<16xi32>
    %and3A_6 = arith.andi %iota3A, %and3A_5 : vector<16xi32>
    %lt3A = arith.constant 2 : i32
    %lt3A_7 = vector.broadcast %lt3A : i32 to vector<16xi32>
    %lt3A_8 = arith.cmpi slt, %iota3A, %lt3A_7 : vector<16xi32>
    %dma_start3A = arith.constant 0 : i32
    %dma_start3A_9 = arith.constant 0 : i32
    %dma_start3A_10 = tpu.memref_slice %arg8[%dma_start3A, %dma_start3A_9] : memref<128x2xi32, #tpu.memory_space<vmem>> -> memref<1x2xi32, #tpu.memory_space<vmem>>
    %dma_start3A_11 = tpu.memref_squeeze %dma_start3A_10 : memref<1x2xi32, #tpu.memory_space<vmem>> -> memref<2xi32, #tpu.memory_space<vmem>>
    %dma_start3A_12 = arith.constant 0 : i32
    %dma_start3A_13 = arith.constant 0 : i32
    %dma_start3A_14 = tpu.memref_slice %arg4[%dma_start3A_12, %dma_start3A_13] : memref<8192x8192xf32, #tpu.memory_space<hbm>> -> memref<8192x8192xf32, #tpu.memory_space<hbm>>
    tpu.enqueue_indirect_dma source(%dma_start3A_14 : memref<8192x8192xf32, #tpu.memory_space<hbm>>) target(%arg10 : memref<2x8192xf32, #tpu.memory_space<vmem>>) offsets(%dma_start3A_11 : memref<2xi32, #tpu.memory_space<vmem>>) semaphore(%arg14 : memref<!tpu.dma_semaphore, #tpu.memory_space<semaphore_mem>>)
    %scan3A = arith.constant 0 : i32
    %scan3A_15 = arith.constant 0 : i32
    %scan3A_16 = arith.constant 64 : i32
    %scan3A_17 = arith.addi %scan3A_15, %scan3A_16 : i32
    %scan3A_18 = arith.constant 1 : i32
    scf.for %scan3A_25 = %scan3A_15 to %scan3A_17 step %scan3A_18  : i32 {
      %mul3A_26 = arith.constant 2 : i32
      %mul3A_27 = arith.muli %mul3A_26, %scan3A_25 : i32
      %add3A_28 = arith.constant 0 : i32
      %add3A_29 = arith.addi %mul3A_27, %add3A_28 : i32
      %gt3A = arith.constant 0 : i32
      %gt3A_30 = arith.cmpi sgt, %scan3A_25, %gt3A : i32
      %convert_element_type3A = arith.extui %gt3A_30 : i1 to i32
      %cond3A = arith.constant 0 : i32
      %cond3A_31 = arith.cmpi ne, %convert_element_type3A, %cond3A : i32
      scf.if %cond3A_31 {
        %sub3A_238 = arith.constant 1 : i32
        %sub3A_239 = arith.subi %add3A_29, %sub3A_238 : i32
        %mul3A_240 = arith.constant 2 : i32
        %mul3A_241 = arith.muli %sub3A_239, %mul3A_240 : i32
        %add3A_242 = arith.addi %mul3A_2, %mul3A_241 : i32
        %dma_wait3A_243 = arith.constant 0 : i32
        %dma_wait3A_244 = tpu.memref_slice %arg5[%add3A_242, %dma_wait3A_243] : memref<8192x8192xf32, #tpu.memory_space<hbm>> -> memref<2x8192xf32, #tpu.memory_space<hbm>>
        %dma_wait3A_245 = arith.constant 0 : i32
        %dma_wait3A_246 = tpu.memref_slice %arg5[%add3A_242, %dma_wait3A_245] : memref<8192x8192xf32, #tpu.memory_space<hbm>> -> memref<2x8192xf32, #tpu.memory_space<hbm>>
        tpu.wait_dma2 semaphore(%arg17 : memref<!tpu.dma_semaphore, #tpu.memory_space<semaphore_mem>>) src(%arg11 : memref<2x8192xf32, #tpu.memory_space<vmem>>) dst(%dma_wait3A_246 : memref<2x8192xf32, #tpu.memory_space<hbm>>)
      } else {
      }
      %add3A_32 = arith.constant 1 : i32
      %add3A_33 = arith.addi %add3A_29, %add3A_32 : i32
      %dma_start3A_34 = arith.constant 0 : i32
      %dma_start3A_35 = tpu.memref_slice %arg8[%add3A_33, %dma_start3A_34] : memref<128x2xi32, #tpu.memory_space<vmem>> -> memref<1x2xi32, #tpu.memory_space<vmem>>
      %dma_start3A_36 = tpu.memref_squeeze %dma_start3A_35 : memref<1x2xi32, #tpu.memory_space<vmem>> -> memref<2xi32, #tpu.memory_space<vmem>>
      %dma_start3A_37 = arith.constant 0 : i32
      %dma_start3A_38 = arith.constant 0 : i32
      %dma_start3A_39 = tpu.memref_slice %arg4[%dma_start3A_37, %dma_start3A_38] : memref<8192x8192xf32, #tpu.memory_space<hbm>> -> memref<8192x8192xf32, #tpu.memory_space<hbm>>
      tpu.enqueue_indirect_dma source(%dma_start3A_39 : memref<8192x8192xf32, #tpu.memory_space<hbm>>) target(%arg11 : memref<2x8192xf32, #tpu.memory_space<vmem>>) offsets(%dma_start3A_36 : memref<2xi32, #tpu.memory_space<vmem>>) semaphore(%arg15 : memref<!tpu.dma_semaphore, #tpu.memory_space<semaphore_mem>>)
      %dma_wait3A_40 = arith.constant 0 : i32
      %dma_wait3A_41 = tpu.memref_slice %arg8[%add3A_29, %dma_wait3A_40] : memref<128x2xi32, #tpu.memory_space<vmem>> -> memref<1x2xi32, #tpu.memory_space<vmem>>
      %dma_wait3A_42 = tpu.memref_squeeze %dma_wait3A_41 : memref<1x2xi32, #tpu.memory_space<vmem>> -> memref<2xi32, #tpu.memory_space<vmem>>
      %dma_wait3A_43 = arith.constant 0 : i32
      %dma_wait3A_44 = arith.constant 0 : i32
      %dma_wait3A_45 = tpu.memref_slice %arg4[%dma_wait3A_43, %dma_wait3A_44] : memref<8192x8192xf32, #tpu.memory_space<hbm>> -> memref<8192x8192xf32, #tpu.memory_space<hbm>>
      tpu.wait_indirect_dma semaphore(%arg14 : memref<!tpu.dma_semaphore, #tpu.memory_space<semaphore_mem>>) src(%dma_wait3A_45 : memref<8192x8192xf32, #tpu.memory_space<hbm>>) dst(%arg10 : memref<2x8192xf32, #tpu.memory_space<vmem>>)
      %broadcast_in_dim3A = arith.constant 0.000000e+00 : f32
      %broadcast_in_dim3A_46 = vector.broadcast %broadcast_in_dim3A : f32 to vector<16xf32>
      %broadcast_in_dim3A_47 = arith.constant 0.000000e+00 : f32
      %broadcast_in_dim3A_48 = vector.broadcast %broadcast_in_dim3A_47 : f32 to vector<16xf32>
      %scan3A_49 = arith.constant 0 : i32
      %scan3A_50 = arith.constant 512 : i32
      %scan3A_51 = arith.addi %scan3A_49, %scan3A_50 : i32
      %scan3A_52 = arith.constant 8 : i32
      %scan3A_53:2 = scf.for %scan3A_238 = %scan3A_49 to %scan3A_51 step %scan3A_52 iter_args(%scan3A_239 = %broadcast_in_dim3A_46, %scan3A_240 = %broadcast_in_dim3A_48) -> (vector<16xf32>, vector<16xf32>)  : i32 {
        %mul3A_241 = arith.constant 16 : i32
        %mul3A_242 = arith.muli %scan3A_238, %mul3A_241 : i32
        %get3A_243 = arith.constant 0 : i32
        %get3A_244 = arith.index_cast %get3A_243 : i32 to index
        %get3A_245 = arith.index_cast %mul3A_242 : i32 to index
        %get3A_246 = tpu.vector_load %arg10[%get3A_244, %get3A_245] {strides = array<i32>} : memref<2x8192xf32, #tpu.memory_space<vmem>>, vector<1x16xf32>,
        %get3A_247 = vector.shape_cast %get3A_246 : vector<1x16xf32> to vector<16xf32>
        %exp3A = math.exp %get3A_247 : vector<16xf32>
        %add3A_248 = arith.addf %scan3A_239, %exp3A : vector<16xf32>
        %get3A_249 = arith.constant 1 : i32
        %get3A_250 = arith.index_cast %get3A_249 : i32 to index
        %get3A_251 = arith.index_cast %mul3A_242 : i32 to index
        %get3A_252 = tpu.vector_load %arg10[%get3A_250, %get3A_251] {strides = array<i32>} : memref<2x8192xf32, #tpu.memory_space<vmem>>, vector<1x16xf32>,
        %get3A_253 = vector.shape_cast %get3A_252 : vector<1x16xf32> to vector<16xf32>
        %exp3A_254 = math.exp %get3A_253 : vector<16xf32>
        %add3A_255 = arith.addf %scan3A_240, %exp3A_254 : vector<16xf32>
        %scan3A_256 = arith.constant 1 : i32
        %scan3A_257 = arith.addi %scan3A_238, %scan3A_256 : i32
        %mul3A_258 = arith.constant 16 : i32
        %mul3A_259 = arith.muli %scan3A_257, %mul3A_258 : i32
        %get3A_260 = arith.constant 0 : i32
        %get3A_261 = arith.index_cast %get3A_260 : i32 to index
        %get3A_262 = arith.index_cast %mul3A_259 : i32 to index
        %get3A_263 = tpu.vector_load %arg10[%get3A_261, %get3A_262] {strides = array<i32>} : memref<2x8192xf32, #tpu.memory_space<vmem>>, vector<1x16xf32>,
        %get3A_264 = vector.shape_cast %get3A_263 : vector<1x16xf32> to vector<16xf32>
        %exp3A_265 = math.exp %get3A_264 : vector<16xf32>
        %add3A_266 = arith.addf %add3A_248, %exp3A_265 : vector<16xf32>
        %get3A_267 = arith.constant 1 : i32
        %get3A_268 = arith.index_cast %get3A_267 : i32 to index
        %get3A_269 = arith.index_cast %mul3A_259 : i32 to index
        %get3A_270 = tpu.vector_load %arg10[%get3A_268, %get3A_269] {strides = array<i32>} : memref<2x8192xf32, #tpu.memory_space<vmem>>, vector<1x16xf32>,
        %get3A_271 = vector.shape_cast %get3A_270 : vector<1x16xf32> to vector<16xf32>
        %exp3A_272 = math.exp %get3A_271 : vector<16xf32>
        %add3A_273 = arith.addf %add3A_255, %exp3A_272 : vector<16xf32>
        %scan3A_274 = arith.constant 2 : i32
        %scan3A_275 = arith.addi %scan3A_238, %scan3A_274 : i32
        %mul3A_276 = arith.constant 16 : i32
        %mul3A_277 = arith.muli %scan3A_275, %mul3A_276 : i32
        %get3A_278 = arith.constant 0 : i32
        %get3A_279 = arith.index_cast %get3A_278 : i32 to index
        %get3A_280 = arith.index_cast %mul3A_277 : i32 to index
        %get3A_281 = tpu.vector_load %arg10[%get3A_279, %get3A_280] {strides = array<i32>} : memref<2x8192xf32, #tpu.memory_space<vmem>>, vector<1x16xf32>,
        %get3A_282 = vector.shape_cast %get3A_281 : vector<1x16xf32> to vector<16xf32>
        %exp3A_283 = math.exp %get3A_282 : vector<16xf32>
        %add3A_284 = arith.addf %add3A_266, %exp3A_283 : vector<16xf32>
        %get3A_285 = arith.constant 1 : i32
        %get3A_286 = arith.index_cast %get3A_285 : i32 to index
        %get3A_287 = arith.index_cast %mul3A_277 : i32 to index
        %get3A_288 = tpu.vector_load %arg10[%get3A_286, %get3A_287] {strides = array<i32>} : memref<2x8192xf32, #tpu.memory_space<vmem>>, vector<1x16xf32>,
        %get3A_289 = vector.shape_cast %get3A_288 : vector<1x16xf32> to vector<16xf32>
        %exp3A_290 = math.exp %get3A_289 : vector<16xf32>
        %add3A_291 = arith.addf %add3A_273, %exp3A_290 : vector<16xf32>
        %scan3A_292 = arith.constant 3 : i32
        %scan3A_293 = arith.addi %scan3A_238, %scan3A_292 : i32
        %mul3A_294 = arith.constant 16 : i32
        %mul3A_295 = arith.muli %scan3A_293, %mul3A_294 : i32
        %get3A_296 = arith.constant 0 : i32
        %get3A_297 = arith.index_cast %get3A_296 : i32 to index
        %get3A_298 = arith.index_cast %mul3A_295 : i32 to index
        %get3A_299 = tpu.vector_load %arg10[%get3A_297, %get3A_298] {strides = array<i32>} : memref<2x8192xf32, #tpu.memory_space<vmem>>, vector<1x16xf32>,
        %get3A_300 = vector.shape_cast %get3A_299 : vector<1x16xf32> to vector<16xf32>
        %exp3A_301 = math.exp %get3A_300 : vector<16xf32>
        %add3A_302 = arith.addf %add3A_284, %exp3A_301 : vector<16xf32>
        %get3A_303 = arith.constant 1 : i32
        %get3A_304 = arith.index_cast %get3A_303 : i32 to index
        %get3A_305 = arith.index_cast %mul3A_295 : i32 to index
        %get3A_306 = tpu.vector_load %arg10[%get3A_304, %get3A_305] {strides = array<i32>} : memref<2x8192xf32, #tpu.memory_space<vmem>>, vector<1x16xf32>,
        %get3A_307 = vector.shape_cast %get3A_306 : vector<1x16xf32> to vector<16xf32>
        %exp3A_308 = math.exp %get3A_307 : vector<16xf32>
        %add3A_309 = arith.addf %add3A_291, %exp3A_308 : vector<16xf32>
        %scan3A_310 = arith.constant 4 : i32
        %scan3A_311 = arith.addi %scan3A_238, %scan3A_310 : i32
        %mul3A_312 = arith.constant 16 : i32
        %mul3A_313 = arith.muli %scan3A_311, %mul3A_312 : i32
        %get3A_314 = arith.constant 0 : i32
        %get3A_315 = arith.index_cast %get3A_314 : i32 to index
        %get3A_316 = arith.index_cast %mul3A_313 : i32 to index
        %get3A_317 = tpu.vector_load %arg10[%get3A_315, %get3A_316] {strides = array<i32>} : memref<2x8192xf32, #tpu.memory_space<vmem>>, vector<1x16xf32>,
        %get3A_318 = vector.shape_cast %get3A_317 : vector<1x16xf32> to vector<16xf32>
        %exp3A_319 = math.exp %get3A_318 : vector<16xf32>
        %add3A_320 = arith.addf %add3A_302, %exp3A_319 : vector<16xf32>
        %get3A_321 = arith.constant 1 : i32
        %get3A_322 = arith.index_cast %get3A_321 : i32 to index
        %get3A_323 = arith.index_cast %mul3A_313 : i32 to index
        %get3A_324 = tpu.vector_load %arg10[%get3A_322, %get3A_323] {strides = array<i32>} : memref<2x8192xf32, #tpu.memory_space<vmem>>, vector<1x16xf32>,
        %get3A_325 = vector.shape_cast %get3A_324 : vector<1x16xf32> to vector<16xf32>
        %exp3A_326 = math.exp %get3A_325 : vector<16xf32>
        %add3A_327 = arith.addf %add3A_309, %exp3A_326 : vector<16xf32>
        %scan3A_328 = arith.constant 5 : i32
        %scan3A_329 = arith.addi %scan3A_238, %scan3A_328 : i32
        %mul3A_330 = arith.constant 16 : i32
        %mul3A_331 = arith.muli %scan3A_329, %mul3A_330 : i32
        %get3A_332 = arith.constant 0 : i32
        %get3A_333 = arith.index_cast %get3A_332 : i32 to index
        %get3A_334 = arith.index_cast %mul3A_331 : i32 to index
        %get3A_335 = tpu.vector_load %arg10[%get3A_333, %get3A_334] {strides = array<i32>} : memref<2x8192xf32, #tpu.memory_space<vmem>>, vector<1x16xf32>,
        %get3A_336 = vector.shape_cast %get3A_335 : vector<1x16xf32> to vector<16xf32>
        %exp3A_337 = math.exp %get3A_336 : vector<16xf32>
        %add3A_338 = arith.addf %add3A_320, %exp3A_337 : vector<16xf32>
        %get3A_339 = arith.constant 1 : i32
        %get3A_340 = arith.index_cast %get3A_339 : i32 to index
        %get3A_341 = arith.index_cast %mul3A_331 : i32 to index
        %get3A_342 = tpu.vector_load %arg10[%get3A_340, %get3A_341] {strides = array<i32>} : memref<2x8192xf32, #tpu.memory_space<vmem>>, vector<1x16xf32>,
        %get3A_343 = vector.shape_cast %get3A_342 : vector<1x16xf32> to vector<16xf32>
        %exp3A_344 = math.exp %get3A_343 : vector<16xf32>
        %add3A_345 = arith.addf %add3A_327, %exp3A_344 : vector<16xf32>
        %scan3A_346 = arith.constant 6 : i32
        %scan3A_347 = arith.addi %scan3A_238, %scan3A_346 : i32
        %mul3A_348 = arith.constant 16 : i32
        %mul3A_349 = arith.muli %scan3A_347, %mul3A_348 : i32
        %get3A_350 = arith.constant 0 : i32
        %get3A_351 = arith.index_cast %get3A_350 : i32 to index
        %get3A_352 = arith.index_cast %mul3A_349 : i32 to index
        %get3A_353 = tpu.vector_load %arg10[%get3A_351, %get3A_352] {strides = array<i32>} : memref<2x8192xf32, #tpu.memory_space<vmem>>, vector<1x16xf32>,
        %get3A_354 = vector.shape_cast %get3A_353 : vector<1x16xf32> to vector<16xf32>
        %exp3A_355 = math.exp %get3A_354 : vector<16xf32>
        %add3A_356 = arith.addf %add3A_338, %exp3A_355 : vector<16xf32>
        %get3A_357 = arith.constant 1 : i32
        %get3A_358 = arith.index_cast %get3A_357 : i32 to index
        %get3A_359 = arith.index_cast %mul3A_349 : i32 to index
        %get3A_360 = tpu.vector_load %arg10[%get3A_358, %get3A_359] {strides = array<i32>} : memref<2x8192xf32, #tpu.memory_space<vmem>>, vector<1x16xf32>,
        %get3A_361 = vector.shape_cast %get3A_360 : vector<1x16xf32> to vector<16xf32>
        %exp3A_362 = math.exp %get3A_361 : vector<16xf32>
        %add3A_363 = arith.addf %add3A_345, %exp3A_362 : vector<16xf32>
        %scan3A_364 = arith.constant 7 : i32
        %scan3A_365 = arith.addi %scan3A_238, %scan3A_364 : i32
        %mul3A_366 = arith.constant 16 : i32
        %mul3A_367 = arith.muli %scan3A_365, %mul3A_366 : i32
        %get3A_368 = arith.constant 0 : i32
        %get3A_369 = arith.index_cast %get3A_368 : i32 to index
        %get3A_370 = arith.index_cast %mul3A_367 : i32 to index
        %get3A_371 = tpu.vector_load %arg10[%get3A_369, %get3A_370] {strides = array<i32>} : memref<2x8192xf32, #tpu.memory_space<vmem>>, vector<1x16xf32>,
        %get3A_372 = vector.shape_cast %get3A_371 : vector<1x16xf32> to vector<16xf32>
        %exp3A_373 = math.exp %get3A_372 : vector<16xf32>
        %add3A_374 = arith.addf %add3A_356, %exp3A_373 : vector<16xf32>
        %get3A_375 = arith.constant 1 : i32
        %get3A_376 = arith.index_cast %get3A_375 : i32 to index
        %get3A_377 = arith.index_cast %mul3A_367 : i32 to index
        %get3A_378 = tpu.vector_load %arg10[%get3A_376, %get3A_377] {strides = array<i32>} : memref<2x8192xf32, #tpu.memory_space<vmem>>, vector<1x16xf32>,
        %get3A_379 = vector.shape_cast %get3A_378 : vector<1x16xf32> to vector<16xf32>
        %exp3A_380 = math.exp %get3A_379 : vector<16xf32>
        %add3A_381 = arith.addf %add3A_363, %exp3A_380 : vector<16xf32>
        scf.yield %add3A_374, %add3A_381 : vector<16xf32>, vector<16xf32>
      }
      %scan3A_54 = arith.constant 512 : i32
      %mul3A_55 = arith.constant 2 : i32
      %mul3A_56 = arith.muli %add3A_29, %mul3A_55 : i32
      %add3A_57 = arith.constant 0 : i32
      %add3A_58 = arith.addi %mul3A_56, %add3A_57 : i32
      %swap3A = arith.index_cast %add3A_58 : i32 to index
      %swap3A_59 = arith.constant 0 : index
      %swap3A_60 = tpu.vector_load %arg12[%swap3A, %swap3A_59] {strides = array<i32>} : memref<256x16xf32, #tpu.memory_space<vmem>>, vector<1x16xf32>,
      %swap3A_61 = vector.shape_cast %swap3A_60 : vector<1x16xf32> to vector<16xf32>
      %swap3A_62 = vector.shape_cast %scan3A_53#0 : vector<16xf32> to vector<1x16xf32>
      tpu.vector_store %arg12[%swap3A, %swap3A_59], %swap3A_62 {strides = array<i32>} : memref<256x16xf32, #tpu.memory_space<vmem>>, vector<1x16xf32>,
      %mul3A_63 = arith.constant 2 : i32
      %mul3A_64 = arith.muli %add3A_29, %mul3A_63 : i32
      %add3A_65 = arith.constant 1 : i32
      %add3A_66 = arith.addi %mul3A_64, %add3A_65 : i32
      %swap3A_67 = arith.index_cast %add3A_66 : i32 to index
      %swap3A_68 = arith.constant 0 : index
      %swap3A_69 = tpu.vector_load %arg12[%swap3A_67, %swap3A_68] {strides = array<i32>} : memref<256x16xf32, #tpu.memory_space<vmem>>, vector<1x16xf32>,
      %swap3A_70 = vector.shape_cast %swap3A_69 : vector<1x16xf32> to vector<16xf32>
      %swap3A_71 = vector.shape_cast %scan3A_53#1 : vector<16xf32> to vector<1x16xf32>
      tpu.vector_store %arg12[%swap3A_67, %swap3A_68], %swap3A_71 {strides = array<i32>} : memref<256x16xf32, #tpu.memory_space<vmem>>, vector<1x16xf32>,
      %get3A = arith.index_cast %add3A_29 : i32 to index
      %get3A_72 = arith.constant 0 : index
      %get3A_73 = tpu.vector_load %arg9[%get3A, %get3A_72] {strides = array<i32>} : memref<128x16xi32, #tpu.memory_space<vmem>>, vector<1x16xi32>,
      %get3A_74 = vector.shape_cast %get3A_73 : vector<1x16xi32> to vector<16xi32>
      %slice3A = vector.extract_strided_slice %get3A_74 {offsets = [0], sizes = [1], strides = [1]} : vector<16xi32> to vector<1xi32>
      %squeeze3A = vector.extract %slice3A[0] : i32 from vector<1xi32>
      %and3A_75 = arith.constant -16 : i32
      %and3A_76 = arith.andi %squeeze3A, %and3A_75 : i32
      %multiple_of3A = tpu.assume_multiple %and3A_76, 16 : i32
      %get3A_77 = arith.constant 0 : i32
      %get3A_78 = arith.index_cast %get3A_77 : i32 to index
      %get3A_79 = arith.index_cast %multiple_of3A : i32 to index
      %get3A_80 = tpu.vector_load %arg10[%get3A_78, %get3A_79] {strides = array<i32>} : memref<2x8192xf32, #tpu.memory_space<vmem>>, vector<1x16xf32>,
      %get3A_81 = vector.shape_cast %get3A_80 : vector<1x16xf32> to vector<16xf32>
      %sub3A = arith.subi %squeeze3A, %multiple_of3A : i32
      %eq3A = vector.broadcast %sub3A : i32 to vector<16xi32>
      %eq3A_82 = arith.cmpi eq, %iota3A, %eq3A : vector<16xi32>
      %jit3A = arith.constant 0.000000e+00 : f32
      %broadcast_in_dim3A_83 = vector.broadcast %jit3A : f32 to vector<16xf32>
      %select_n3A = arith.select %eq3A_82, %get3A_81, %broadcast_in_dim3A_83 : vector<16xi1>, vector<16xf32>
      %mul3A_84 = arith.constant 2 : i32
      %mul3A_85 = arith.muli %add3A_29, %mul3A_84 : i32
      %add3A_86 = arith.constant 0 : i32
      %add3A_87 = arith.addi %mul3A_85, %add3A_86 : i32
      %swap3A_88 = arith.index_cast %add3A_87 : i32 to index
      %swap3A_89 = arith.constant 0 : index
      %swap3A_90 = tpu.vector_load %arg13[%swap3A_88, %swap3A_89] {strides = array<i32>} : memref<256x16xf32, #tpu.memory_space<vmem>>, vector<1x16xf32>,
      %swap3A_91 = vector.shape_cast %swap3A_90 : vector<1x16xf32> to vector<16xf32>
      %swap3A_92 = vector.shape_cast %select_n3A : vector<16xf32> to vector<1x16xf32>
      tpu.vector_store %arg13[%swap3A_88, %swap3A_89], %swap3A_92 {strides = array<i32>} : memref<256x16xf32, #tpu.memory_space<vmem>>, vector<1x16xf32>,
      %slice3A_93 = vector.extract_strided_slice %get3A_74 {offsets = [1], sizes = [1], strides = [1]} : vector<16xi32> to vector<1xi32>
      %squeeze3A_94 = vector.extract %slice3A_93[0] : i32 from vector<1xi32>
      %and3A_95 = arith.constant -16 : i32
      %and3A_96 = arith.andi %squeeze3A_94, %and3A_95 : i32
      %multiple_of3A_97 = tpu.assume_multiple %and3A_96, 16 : i32
      %get3A_98 = arith.constant 1 : i32
      %get3A_99 = arith.index_cast %get3A_98 : i32 to index
      %get3A_100 = arith.index_cast %multiple_of3A_97 : i32 to index
      %get3A_101 = tpu.vector_load %arg10[%get3A_99, %get3A_100] {strides = array<i32>} : memref<2x8192xf32, #tpu.memory_space<vmem>>, vector<1x16xf32>,
      %get3A_102 = vector.shape_cast %get3A_101 : vector<1x16xf32> to vector<16xf32>
      %sub3A_103 = arith.subi %squeeze3A_94, %multiple_of3A_97 : i32
      %eq3A_104 = vector.broadcast %sub3A_103 : i32 to vector<16xi32>
      %eq3A_105 = arith.cmpi eq, %iota3A, %eq3A_104 : vector<16xi32>
      %jit3A_106 = arith.constant 0.000000e+00 : f32
      %broadcast_in_dim3A_107 = vector.broadcast %jit3A_106 : f32 to vector<16xf32>
      %select_n3A_108 = arith.select %eq3A_105, %get3A_102, %broadcast_in_dim3A_107 : vector<16xi1>, vector<16xf32>
      %mul3A_109 = arith.constant 2 : i32
      %mul3A_110 = arith.muli %add3A_29, %mul3A_109 : i32
      %add3A_111 = arith.constant 1 : i32
      %add3A_112 = arith.addi %mul3A_110, %add3A_111 : i32
      %swap3A_113 = arith.index_cast %add3A_112 : i32 to index
      %swap3A_114 = arith.constant 0 : index
      %swap3A_115 = tpu.vector_load %arg13[%swap3A_113, %swap3A_114] {strides = array<i32>} : memref<256x16xf32, #tpu.memory_space<vmem>>, vector<1x16xf32>,
      %swap3A_116 = vector.shape_cast %swap3A_115 : vector<1x16xf32> to vector<16xf32>
      %swap3A_117 = vector.shape_cast %select_n3A_108 : vector<16xf32> to vector<1x16xf32>
      tpu.vector_store %arg13[%swap3A_113, %swap3A_114], %swap3A_117 {strides = array<i32>} : memref<256x16xf32, #tpu.memory_space<vmem>>, vector<1x16xf32>,
      %mul3A_118 = arith.constant 2 : i32
      %mul3A_119 = arith.muli %add3A_29, %mul3A_118 : i32
      %add3A_120 = arith.addi %mul3A_2, %mul3A_119 : i32
      %dma_start3A_121 = arith.constant 0 : i32
      %dma_start3A_122 = tpu.memref_slice %arg5[%add3A_120, %dma_start3A_121] : memref<8192x8192xf32, #tpu.memory_space<hbm>> -> memref<2x8192xf32, #tpu.memory_space<hbm>>
      %dma_start3A_123 = arith.constant 0 : i32
      %dma_start3A_124 = tpu.memref_slice %arg5[%add3A_120, %dma_start3A_123] : memref<8192x8192xf32, #tpu.memory_space<hbm>> -> memref<2x8192xf32, #tpu.memory_space<hbm>>
      tpu.enqueue_dma source(%arg10 : memref<2x8192xf32, #tpu.memory_space<vmem>>) target(%dma_start3A_124 : memref<2x8192xf32, #tpu.memory_space<hbm>>) target_semaphore(%arg16 : memref<!tpu.dma_semaphore, #tpu.memory_space<semaphore_mem>>)
      %mul3A_125 = arith.constant 2 : i32
      %mul3A_126 = arith.muli %mul3A_125, %scan3A_25 : i32
      %add3A_127 = arith.constant 1 : i32
      %add3A_128 = arith.addi %mul3A_126, %add3A_127 : i32
      %sub3A_129 = arith.constant 1 : i32
      %sub3A_130 = arith.subi %add3A_128, %sub3A_129 : i32
      %mul3A_131 = arith.constant 2 : i32
      %mul3A_132 = arith.muli %sub3A_130, %mul3A_131 : i32
      %add3A_133 = arith.addi %mul3A_2, %mul3A_132 : i32
      %dma_wait3A_134 = arith.constant 0 : i32
      %dma_wait3A_135 = tpu.memref_slice %arg5[%add3A_133, %dma_wait3A_134] : memref<8192x8192xf32, #tpu.memory_space<hbm>> -> memref<2x8192xf32, #tpu.memory_space<hbm>>
      %dma_wait3A_136 = arith.constant 0 : i32
      %dma_wait3A_137 = tpu.memref_slice %arg5[%add3A_133, %dma_wait3A_136] : memref<8192x8192xf32, #tpu.memory_space<hbm>> -> memref<2x8192xf32, #tpu.memory_space<hbm>>
      tpu.wait_dma2 semaphore(%arg16 : memref<!tpu.dma_semaphore, #tpu.memory_space<semaphore_mem>>) src(%arg10 : memref<2x8192xf32, #tpu.memory_space<vmem>>) dst(%dma_wait3A_137 : memref<2x8192xf32, #tpu.memory_space<hbm>>)
      %lt3A_138 = arith.constant 63 : i32
      %lt3A_139 = arith.cmpi slt, %scan3A_25, %lt3A_138 : i32
      %convert_element_type3A_140 = arith.extui %lt3A_139 : i1 to i32
      %cond3A_141 = arith.constant 0 : i32
      %cond3A_142 = arith.cmpi ne, %convert_element_type3A_140, %cond3A_141 : i32
      scf.if %cond3A_142 {
        %add3A_238 = arith.constant 1 : i32
        %add3A_239 = arith.addi %add3A_128, %add3A_238 : i32
        %dma_start3A_240 = arith.constant 0 : i32
        %dma_start3A_241 = tpu.memref_slice %arg8[%add3A_239, %dma_start3A_240] : memref<128x2xi32, #tpu.memory_space<vmem>> -> memref<1x2xi32, #tpu.memory_space<vmem>>
        %dma_start3A_242 = tpu.memref_squeeze %dma_start3A_241 : memref<1x2xi32, #tpu.memory_space<vmem>> -> memref<2xi32, #tpu.memory_space<vmem>>
        %dma_start3A_243 = arith.constant 0 : i32
        %dma_start3A_244 = arith.constant 0 : i32
        %dma_start3A_245 = tpu.memref_slice %arg4[%dma_start3A_243, %dma_start3A_244] : memref<8192x8192xf32, #tpu.memory_space<hbm>> -> memref<8192x8192xf32, #tpu.memory_space<hbm>>
        tpu.enqueue_indirect_dma source(%dma_start3A_245 : memref<8192x8192xf32, #tpu.memory_space<hbm>>) target(%arg10 : memref<2x8192xf32, #tpu.memory_space<vmem>>) offsets(%dma_start3A_242 : memref<2xi32, #tpu.memory_space<vmem>>) semaphore(%arg14 : memref<!tpu.dma_semaphore, #tpu.memory_space<semaphore_mem>>)
      } else {
      }
      %dma_wait3A_143 = arith.constant 0 : i32
      %dma_wait3A_144 = tpu.memref_slice %arg8[%add3A_128, %dma_wait3A_143] : memref<128x2xi32, #tpu.memory_space<vmem>> -> memref<1x2xi32, #tpu.memory_space<vmem>>
      %dma_wait3A_145 = tpu.memref_squeeze %dma_wait3A_144 : memref<1x2xi32, #tpu.memory_space<vmem>> -> memref<2xi32, #tpu.memory_space<vmem>>
      %dma_wait3A_146 = arith.constant 0 : i32
      %dma_wait3A_147 = arith.constant 0 : i32
      %dma_wait3A_148 = tpu.memref_slice %arg4[%dma_wait3A_146, %dma_wait3A_147] : memref<8192x8192xf32, #tpu.memory_space<hbm>> -> memref<8192x8192xf32, #tpu.memory_space<hbm>>
      tpu.wait_indirect_dma semaphore(%arg15 : memref<!tpu.dma_semaphore, #tpu.memory_space<semaphore_mem>>) src(%dma_wait3A_148 : memref<8192x8192xf32, #tpu.memory_space<hbm>>) dst(%arg11 : memref<2x8192xf32, #tpu.memory_space<vmem>>)
      %broadcast_in_dim3A_149 = arith.constant 0.000000e+00 : f32
      %broadcast_in_dim3A_150 = vector.broadcast %broadcast_in_dim3A_149 : f32 to vector<16xf32>
      %broadcast_in_dim3A_151 = arith.constant 0.000000e+00 : f32
      %broadcast_in_dim3A_152 = vector.broadcast %broadcast_in_dim3A_151 : f32 to vector<16xf32>
      %scan3A_153 = arith.constant 0 : i32
      %scan3A_154 = arith.constant 512 : i32
      %scan3A_155 = arith.addi %scan3A_153, %scan3A_154 : i32
      %scan3A_156 = arith.constant 8 : i32
      %scan3A_157:2 = scf.for %scan3A_238 = %scan3A_153 to %scan3A_155 step %scan3A_156 iter_args(%scan3A_239 = %broadcast_in_dim3A_150, %scan3A_240 = %broadcast_in_dim3A_152) -> (vector<16xf32>, vector<16xf32>)  : i32 {
        %mul3A_241 = arith.constant 16 : i32
        %mul3A_242 = arith.muli %scan3A_238, %mul3A_241 : i32
        %get3A_243 = arith.constant 0 : i32
        %get3A_244 = arith.index_cast %get3A_243 : i32 to index
        %get3A_245 = arith.index_cast %mul3A_242 : i32 to index
        %get3A_246 = tpu.vector_load %arg11[%get3A_244, %get3A_245] {strides = array<i32>} : memref<2x8192xf32, #tpu.memory_space<vmem>>, vector<1x16xf32>,
        %get3A_247 = vector.shape_cast %get3A_246 : vector<1x16xf32> to vector<16xf32>
        %exp3A = math.exp %get3A_247 : vector<16xf32>
        %add3A_248 = arith.addf %scan3A_239, %exp3A : vector<16xf32>
        %get3A_249 = arith.constant 1 : i32
        %get3A_250 = arith.index_cast %get3A_249 : i32 to index
        %get3A_251 = arith.index_cast %mul3A_242 : i32 to index
        %get3A_252 = tpu.vector_load %arg11[%get3A_250, %get3A_251] {strides = array<i32>} : memref<2x8192xf32, #tpu.memory_space<vmem>>, vector<1x16xf32>,
        %get3A_253 = vector.shape_cast %get3A_252 : vector<1x16xf32> to vector<16xf32>
        %exp3A_254 = math.exp %get3A_253 : vector<16xf32>
        %add3A_255 = arith.addf %scan3A_240, %exp3A_254 : vector<16xf32>
        %scan3A_256 = arith.constant 1 : i32
        %scan3A_257 = arith.addi %scan3A_238, %scan3A_256 : i32
        %mul3A_258 = arith.constant 16 : i32
        %mul3A_259 = arith.muli %scan3A_257, %mul3A_258 : i32
        %get3A_260 = arith.constant 0 : i32
        %get3A_261 = arith.index_cast %get3A_260 : i32 to index
        %get3A_262 = arith.index_cast %mul3A_259 : i32 to index
        %get3A_263 = tpu.vector_load %arg11[%get3A_261, %get3A_262] {strides = array<i32>} : memref<2x8192xf32, #tpu.memory_space<vmem>>, vector<1x16xf32>,
        %get3A_264 = vector.shape_cast %get3A_263 : vector<1x16xf32> to vector<16xf32>
        %exp3A_265 = math.exp %get3A_264 : vector<16xf32>
        %add3A_266 = arith.addf %add3A_248, %exp3A_265 : vector<16xf32>
        %get3A_267 = arith.constant 1 : i32
        %get3A_268 = arith.index_cast %get3A_267 : i32 to index
        %get3A_269 = arith.index_cast %mul3A_259 : i32 to index
        %get3A_270 = tpu.vector_load %arg11[%get3A_268, %get3A_269] {strides = array<i32>} : memref<2x8192xf32, #tpu.memory_space<vmem>>, vector<1x16xf32>,
        %get3A_271 = vector.shape_cast %get3A_270 : vector<1x16xf32> to vector<16xf32>
        %exp3A_272 = math.exp %get3A_271 : vector<16xf32>
        %add3A_273 = arith.addf %add3A_255, %exp3A_272 : vector<16xf32>
        %scan3A_274 = arith.constant 2 : i32
        %scan3A_275 = arith.addi %scan3A_238, %scan3A_274 : i32
        %mul3A_276 = arith.constant 16 : i32
        %mul3A_277 = arith.muli %scan3A_275, %mul3A_276 : i32
        %get3A_278 = arith.constant 0 : i32
        %get3A_279 = arith.index_cast %get3A_278 : i32 to index
        %get3A_280 = arith.index_cast %mul3A_277 : i32 to index
        %get3A_281 = tpu.vector_load %arg11[%get3A_279, %get3A_280] {strides = array<i32>} : memref<2x8192xf32, #tpu.memory_space<vmem>>, vector<1x16xf32>,
        %get3A_282 = vector.shape_cast %get3A_281 : vector<1x16xf32> to vector<16xf32>
        %exp3A_283 = math.exp %get3A_282 : vector<16xf32>
        %add3A_284 = arith.addf %add3A_266, %exp3A_283 : vector<16xf32>
        %get3A_285 = arith.constant 1 : i32
        %get3A_286 = arith.index_cast %get3A_285 : i32 to index
        %get3A_287 = arith.index_cast %mul3A_277 : i32 to index
        %get3A_288 = tpu.vector_load %arg11[%get3A_286, %get3A_287] {strides = array<i32>} : memref<2x8192xf32, #tpu.memory_space<vmem>>, vector<1x16xf32>,
        %get3A_289 = vector.shape_cast %get3A_288 : vector<1x16xf32> to vector<16xf32>
        %exp3A_290 = math.exp %get3A_289 : vector<16xf32>
        %add3A_291 = arith.addf %add3A_273, %exp3A_290 : vector<16xf32>
        %scan3A_292 = arith.constant 3 : i32
        %scan3A_293 = arith.addi %scan3A_238, %scan3A_292 : i32
        %mul3A_294 = arith.constant 16 : i32
        %mul3A_295 = arith.muli %scan3A_293, %mul3A_294 : i32
        %get3A_296 = arith.constant 0 : i32
        %get3A_297 = arith.index_cast %get3A_296 : i32 to index
        %get3A_298 = arith.index_cast %mul3A_295 : i32 to index
        %get3A_299 = tpu.vector_load %arg11[%get3A_297, %get3A_298] {strides = array<i32>} : memref<2x8192xf32, #tpu.memory_space<vmem>>, vector<1x16xf32>,
        %get3A_300 = vector.shape_cast %get3A_299 : vector<1x16xf32> to vector<16xf32>
        %exp3A_301 = math.exp %get3A_300 : vector<16xf32>
        %add3A_302 = arith.addf %add3A_284, %exp3A_301 : vector<16xf32>
        %get3A_303 = arith.constant 1 : i32
        %get3A_304 = arith.index_cast %get3A_303 : i32 to index
        %get3A_305 = arith.index_cast %mul3A_295 : i32 to index
        %get3A_306 = tpu.vector_load %arg11[%get3A_304, %get3A_305] {strides = array<i32>} : memref<2x8192xf32, #tpu.memory_space<vmem>>, vector<1x16xf32>,
        %get3A_307 = vector.shape_cast %get3A_306 : vector<1x16xf32> to vector<16xf32>
        %exp3A_308 = math.exp %get3A_307 : vector<16xf32>
        %add3A_309 = arith.addf %add3A_291, %exp3A_308 : vector<16xf32>
        %scan3A_310 = arith.constant 4 : i32
        %scan3A_311 = arith.addi %scan3A_238, %scan3A_310 : i32
        %mul3A_312 = arith.constant 16 : i32
        %mul3A_313 = arith.muli %scan3A_311, %mul3A_312 : i32
        %get3A_314 = arith.constant 0 : i32
        %get3A_315 = arith.index_cast %get3A_314 : i32 to index
        %get3A_316 = arith.index_cast %mul3A_313 : i32 to index
        %get3A_317 = tpu.vector_load %arg11[%get3A_315, %get3A_316] {strides = array<i32>} : memref<2x8192xf32, #tpu.memory_space<vmem>>, vector<1x16xf32>,
        %get3A_318 = vector.shape_cast %get3A_317 : vector<1x16xf32> to vector<16xf32>
        %exp3A_319 = math.exp %get3A_318 : vector<16xf32>
        %add3A_320 = arith.addf %add3A_302, %exp3A_319 : vector<16xf32>
        %get3A_321 = arith.constant 1 : i32
        %get3A_322 = arith.index_cast %get3A_321 : i32 to index
        %get3A_323 = arith.index_cast %mul3A_313 : i32 to index
        %get3A_324 = tpu.vector_load %arg11[%get3A_322, %get3A_323] {strides = array<i32>} : memref<2x8192xf32, #tpu.memory_space<vmem>>, vector<1x16xf32>,
        %get3A_325 = vector.shape_cast %get3A_324 : vector<1x16xf32> to vector<16xf32>
        %exp3A_326 = math.exp %get3A_325 : vector<16xf32>
        %add3A_327 = arith.addf %add3A_309, %exp3A_326 : vector<16xf32>
        %scan3A_328 = arith.constant 5 : i32
        %scan3A_329 = arith.addi %scan3A_238, %scan3A_328 : i32
        %mul3A_330 = arith.constant 16 : i32
        %mul3A_331 = arith.muli %scan3A_329, %mul3A_330 : i32
        %get3A_332 = arith.constant 0 : i32
        %get3A_333 = arith.index_cast %get3A_332 : i32 to index
        %get3A_334 = arith.index_cast %mul3A_331 : i32 to index
        %get3A_335 = tpu.vector_load %arg11[%get3A_333, %get3A_334] {strides = array<i32>} : memref<2x8192xf32, #tpu.memory_space<vmem>>, vector<1x16xf32>,
        %get3A_336 = vector.shape_cast %get3A_335 : vector<1x16xf32> to vector<16xf32>
        %exp3A_337 = math.exp %get3A_336 : vector<16xf32>
        %add3A_338 = arith.addf %add3A_320, %exp3A_337 : vector<16xf32>
        %get3A_339 = arith.constant 1 : i32
        %get3A_340 = arith.index_cast %get3A_339 : i32 to index
        %get3A_341 = arith.index_cast %mul3A_331 : i32 to index
        %get3A_342 = tpu.vector_load %arg11[%get3A_340, %get3A_341] {strides = array<i32>} : memref<2x8192xf32, #tpu.memory_space<vmem>>, vector<1x16xf32>,
        %get3A_343 = vector.shape_cast %get3A_342 : vector<1x16xf32> to vector<16xf32>
        %exp3A_344 = math.exp %get3A_343 : vector<16xf32>
        %add3A_345 = arith.addf %add3A_327, %exp3A_344 : vector<16xf32>
        %scan3A_346 = arith.constant 6 : i32
        %scan3A_347 = arith.addi %scan3A_238, %scan3A_346 : i32
        %mul3A_348 = arith.constant 16 : i32
        %mul3A_349 = arith.muli %scan3A_347, %mul3A_348 : i32
        %get3A_350 = arith.constant 0 : i32
        %get3A_351 = arith.index_cast %get3A_350 : i32 to index
        %get3A_352 = arith.index_cast %mul3A_349 : i32 to index
        %get3A_353 = tpu.vector_load %arg11[%get3A_351, %get3A_352] {strides = array<i32>} : memref<2x8192xf32, #tpu.memory_space<vmem>>, vector<1x16xf32>,
        %get3A_354 = vector.shape_cast %get3A_353 : vector<1x16xf32> to vector<16xf32>
        %exp3A_355 = math.exp %get3A_354 : vector<16xf32>
        %add3A_356 = arith.addf %add3A_338, %exp3A_355 : vector<16xf32>
        %get3A_357 = arith.constant 1 : i32
        %get3A_358 = arith.index_cast %get3A_357 : i32 to index
        %get3A_359 = arith.index_cast %mul3A_349 : i32 to index
        %get3A_360 = tpu.vector_load %arg11[%get3A_358, %get3A_359] {strides = array<i32>} : memref<2x8192xf32, #tpu.memory_space<vmem>>, vector<1x16xf32>,
        %get3A_361 = vector.shape_cast %get3A_360 : vector<1x16xf32> to vector<16xf32>
        %exp3A_362 = math.exp %get3A_361 : vector<16xf32>
        %add3A_363 = arith.addf %add3A_345, %exp3A_362 : vector<16xf32>
        %scan3A_364 = arith.constant 7 : i32
        %scan3A_365 = arith.addi %scan3A_238, %scan3A_364 : i32
        %mul3A_366 = arith.constant 16 : i32
        %mul3A_367 = arith.muli %scan3A_365, %mul3A_366 : i32
        %get3A_368 = arith.constant 0 : i32
        %get3A_369 = arith.index_cast %get3A_368 : i32 to index
        %get3A_370 = arith.index_cast %mul3A_367 : i32 to index
        %get3A_371 = tpu.vector_load %arg11[%get3A_369, %get3A_370] {strides = array<i32>} : memref<2x8192xf32, #tpu.memory_space<vmem>>, vector<1x16xf32>,
        %get3A_372 = vector.shape_cast %get3A_371 : vector<1x16xf32> to vector<16xf32>
        %exp3A_373 = math.exp %get3A_372 : vector<16xf32>
        %add3A_374 = arith.addf %add3A_356, %exp3A_373 : vector<16xf32>
        %get3A_375 = arith.constant 1 : i32
        %get3A_376 = arith.index_cast %get3A_375 : i32 to index
        %get3A_377 = arith.index_cast %mul3A_367 : i32 to index
        %get3A_378 = tpu.vector_load %arg11[%get3A_376, %get3A_377] {strides = array<i32>} : memref<2x8192xf32, #tpu.memory_space<vmem>>, vector<1x16xf32>,
        %get3A_379 = vector.shape_cast %get3A_378 : vector<1x16xf32> to vector<16xf32>
        %exp3A_380 = math.exp %get3A_379 : vector<16xf32>
        %add3A_381 = arith.addf %add3A_363, %exp3A_380 : vector<16xf32>
        scf.yield %add3A_374, %add3A_381 : vector<16xf32>, vector<16xf32>
      }
      %scan3A_158 = arith.constant 512 : i32
      %mul3A_159 = arith.constant 2 : i32
      %mul3A_160 = arith.muli %add3A_128, %mul3A_159 : i32
      %add3A_161 = arith.constant 0 : i32
      %add3A_162 = arith.addi %mul3A_160, %add3A_161 : i32
      %swap3A_163 = arith.index_cast %add3A_162 : i32 to index
      %swap3A_164 = arith.constant 0 : index
      %swap3A_165 = tpu.vector_load %arg12[%swap3A_163, %swap3A_164] {strides = array<i32>} : memref<256x16xf32, #tpu.memory_space<vmem>>, vector<1x16xf32>,
      %swap3A_166 = vector.shape_cast %swap3A_165 : vector<1x16xf32> to vector<16xf32>
      %swap3A_167 = vector.shape_cast %scan3A_157#0 : vector<16xf32> to vector<1x16xf32>
      tpu.vector_store %arg12[%swap3A_163, %swap3A_164], %swap3A_167 {strides = array<i32>} : memref<256x16xf32, #tpu.memory_space<vmem>>, vector<1x16xf32>,
      %mul3A_168 = arith.constant 2 : i32
      %mul3A_169 = arith.muli %add3A_128, %mul3A_168 : i32
      %add3A_170 = arith.constant 1 : i32
      %add3A_171 = arith.addi %mul3A_169, %add3A_170 : i32
      %swap3A_172 = arith.index_cast %add3A_171 : i32 to index
      %swap3A_173 = arith.constant 0 : index
      %swap3A_174 = tpu.vector_load %arg12[%swap3A_172, %swap3A_173] {strides = array<i32>} : memref<256x16xf32, #tpu.memory_space<vmem>>, vector<1x16xf32>,
      %swap3A_175 = vector.shape_cast %swap3A_174 : vector<1x16xf32> to vector<16xf32>
      %swap3A_176 = vector.shape_cast %scan3A_157#1 : vector<16xf32> to vector<1x16xf32>
      tpu.vector_store %arg12[%swap3A_172, %swap3A_173], %swap3A_176 {strides = array<i32>} : memref<256x16xf32, #tpu.memory_space<vmem>>, vector<1x16xf32>,
      %get3A_177 = arith.index_cast %add3A_128 : i32 to index
      %get3A_178 = arith.constant 0 : index
      %get3A_179 = tpu.vector_load %arg9[%get3A_177, %get3A_178] {strides = array<i32>} : memref<128x16xi32, #tpu.memory_space<vmem>>, vector<1x16xi32>,
      %get3A_180 = vector.shape_cast %get3A_179 : vector<1x16xi32> to vector<16xi32>
      %slice3A_181 = vector.extract_strided_slice %get3A_180 {offsets = [0], sizes = [1], strides = [1]} : vector<16xi32> to vector<1xi32>
      %squeeze3A_182 = vector.extract %slice3A_181[0] : i32 from vector<1xi32>
      %and3A_183 = arith.constant -16 : i32
      %and3A_184 = arith.andi %squeeze3A_182, %and3A_183 : i32
      %multiple_of3A_185 = tpu.assume_multiple %and3A_184, 16 : i32
      %get3A_186 = arith.constant 0 : i32
      %get3A_187 = arith.index_cast %get3A_186 : i32 to index
      %get3A_188 = arith.index_cast %multiple_of3A_185 : i32 to index
      %get3A_189 = tpu.vector_load %arg11[%get3A_187, %get3A_188] {strides = array<i32>} : memref<2x8192xf32, #tpu.memory_space<vmem>>, vector<1x16xf32>,
      %get3A_190 = vector.shape_cast %get3A_189 : vector<1x16xf32> to vector<16xf32>
      %sub3A_191 = arith.subi %squeeze3A_182, %multiple_of3A_185 : i32
      %eq3A_192 = vector.broadcast %sub3A_191 : i32 to vector<16xi32>
      %eq3A_193 = arith.cmpi eq, %iota3A, %eq3A_192 : vector<16xi32>
      %jit3A_194 = arith.constant 0.000000e+00 : f32
      %broadcast_in_dim3A_195 = vector.broadcast %jit3A_194 : f32 to vector<16xf32>
      %select_n3A_196 = arith.select %eq3A_193, %get3A_190, %broadcast_in_dim3A_195 : vector<16xi1>, vector<16xf32>
      %mul3A_197 = arith.constant 2 : i32
      %mul3A_198 = arith.muli %add3A_128, %mul3A_197 : i32
      %add3A_199 = arith.constant 0 : i32
      %add3A_200 = arith.addi %mul3A_198, %add3A_199 : i32
      %swap3A_201 = arith.index_cast %add3A_200 : i32 to index
      %swap3A_202 = arith.constant 0 : index
      %swap3A_203 = tpu.vector_load %arg13[%swap3A_201, %swap3A_202] {strides = array<i32>} : memref<256x16xf32, #tpu.memory_space<vmem>>, vector<1x16xf32>,
      %swap3A_204 = vector.shape_cast %swap3A_203 : vector<1x16xf32> to vector<16xf32>
      %swap3A_205 = vector.shape_cast %select_n3A_196 : vector<16xf32> to vector<1x16xf32>
      tpu.vector_store %arg13[%swap3A_201, %swap3A_202], %swap3A_205 {strides = array<i32>} : memref<256x16xf32, #tpu.memory_space<vmem>>, vector<1x16xf32>,
      %slice3A_206 = vector.extract_strided_slice %get3A_180 {offsets = [1], sizes = [1], strides = [1]} : vector<16xi32> to vector<1xi32>
      %squeeze3A_207 = vector.extract %slice3A_206[0] : i32 from vector<1xi32>
      %and3A_208 = arith.constant -16 : i32
      %and3A_209 = arith.andi %squeeze3A_207, %and3A_208 : i32
      %multiple_of3A_210 = tpu.assume_multiple %and3A_209, 16 : i32
      %get3A_211 = arith.constant 1 : i32
      %get3A_212 = arith.index_cast %get3A_211 : i32 to index
      %get3A_213 = arith.index_cast %multiple_of3A_210 : i32 to index
      %get3A_214 = tpu.vector_load %arg11[%get3A_212, %get3A_213] {strides = array<i32>} : memref<2x8192xf32, #tpu.memory_space<vmem>>, vector<1x16xf32>,
      %get3A_215 = vector.shape_cast %get3A_214 : vector<1x16xf32> to vector<16xf32>
      %sub3A_216 = arith.subi %squeeze3A_207, %multiple_of3A_210 : i32
      %eq3A_217 = vector.broadcast %sub3A_216 : i32 to vector<16xi32>
      %eq3A_218 = arith.cmpi eq, %iota3A, %eq3A_217 : vector<16xi32>
      %jit3A_219 = arith.constant 0.000000e+00 : f32
      %broadcast_in_dim3A_220 = vector.broadcast %jit3A_219 : f32 to vector<16xf32>
      %select_n3A_221 = arith.select %eq3A_218, %get3A_215, %broadcast_in_dim3A_220 : vector<16xi1>, vector<16xf32>
      %mul3A_222 = arith.constant 2 : i32
      %mul3A_223 = arith.muli %add3A_128, %mul3A_222 : i32
      %add3A_224 = arith.constant 1 : i32
      %add3A_225 = arith.addi %mul3A_223, %add3A_224 : i32
      %swap3A_226 = arith.index_cast %add3A_225 : i32 to index
      %swap3A_227 = arith.constant 0 : index
      %swap3A_228 = tpu.vector_load %arg13[%swap3A_226, %swap3A_227] {strides = array<i32>} : memref<256x16xf32, #tpu.memory_space<vmem>>, vector<1x16xf32>,
      %swap3A_229 = vector.shape_cast %swap3A_228 : vector<1x16xf32> to vector<16xf32>
      %swap3A_230 = vector.shape_cast %select_n3A_221 : vector<16xf32> to vector<1x16xf32>
      tpu.vector_store %arg13[%swap3A_226, %swap3A_227], %swap3A_230 {strides = array<i32>} : memref<256x16xf32, #tpu.memory_space<vmem>>, vector<1x16xf32>,
      %mul3A_231 = arith.constant 2 : i32
      %mul3A_232 = arith.muli %add3A_128, %mul3A_231 : i32
      %add3A_233 = arith.addi %mul3A_2, %mul3A_232 : i32
      %dma_start3A_234 = arith.constant 0 : i32
      %dma_start3A_235 = tpu.memref_slice %arg5[%add3A_233, %dma_start3A_234] : memref<8192x8192xf32, #tpu.memory_space<hbm>> -> memref<2x8192xf32, #tpu.memory_space<hbm>>
      %dma_start3A_236 = arith.constant 0 : i32
      %dma_start3A_237 = tpu.memref_slice %arg5[%add3A_233, %dma_start3A_236] : memref<8192x8192xf32, #tpu.memory_space<hbm>> -> memref<2x8192xf32, #tpu.memory_space<hbm>>
      tpu.enqueue_dma source(%arg11 : memref<2x8192xf32, #tpu.memory_space<vmem>>) target(%dma_start3A_237 : memref<2x8192xf32, #tpu.memory_space<hbm>>) target_semaphore(%arg17 : memref<!tpu.dma_semaphore, #tpu.memory_space<semaphore_mem>>)
    }
    %scan3A_19 = arith.constant 64 : i32
    %add3A_20 = arith.constant 254 : i32
    %add3A_21 = arith.addi %mul3A_2, %add3A_20 : i32
    %dma_wait3A = arith.constant 0 : i32
    %dma_wait3A_22 = tpu.memref_slice %arg5[%add3A_21, %dma_wait3A] : memref<8192x8192xf32, #tpu.memory_space<hbm>> -> memref<2x8192xf32, #tpu.memory_space<hbm>>
    %dma_wait3A_23 = arith.constant 0 : i32
    %dma_wait3A_24 = tpu.memref_slice %arg5[%add3A_21, %dma_wait3A_23] : memref<8192x8192xf32, #tpu.memory_space<hbm>> -> memref<2x8192xf32, #tpu.memory_space<hbm>>
    tpu.wait_dma2 semaphore(%arg17 : memref<!tpu.dma_semaphore, #tpu.memory_space<semaphore_mem>>) src(%arg11 : memref<2x8192xf32, #tpu.memory_space<vmem>>) dst(%dma_wait3A_24 : memref<2x8192xf32, #tpu.memory_space<hbm>>)
    "tpu.region"() ({
      %run_scoped3A = tpu.sem_alloc : memref<!tpu.dma_semaphore, #tpu.memory_space<semaphore_mem>>
      %dma_start3A_25 = arith.constant 0 : i32
      %dma_start3A_26 = tpu.memref_slice %arg6[%mul3A_2, %dma_start3A_25] : memref<8192x16xf32, #tpu.memory_space<hbm>> -> memref<256x16xf32, #tpu.memory_space<hbm>>
      %dma_start3A_27 = arith.constant 0 : i32
      %dma_start3A_28 = tpu.memref_slice %arg6[%mul3A_2, %dma_start3A_27] : memref<8192x16xf32, #tpu.memory_space<hbm>> -> memref<256x16xf32, #tpu.memory_space<hbm>>
      tpu.enqueue_dma source(%arg12 : memref<256x16xf32, #tpu.memory_space<vmem>>) target(%dma_start3A_28 : memref<256x16xf32, #tpu.memory_space<hbm>>) target_semaphore(%run_scoped3A : memref<!tpu.dma_semaphore, #tpu.memory_space<semaphore_mem>>)
      %dma_wait3A_29 = arith.constant 0 : i32
      %dma_wait3A_30 = tpu.memref_slice %arg6[%mul3A_2, %dma_wait3A_29] : memref<8192x16xf32, #tpu.memory_space<hbm>> -> memref<256x16xf32, #tpu.memory_space<hbm>>
      %dma_wait3A_31 = arith.constant 0 : i32
      %dma_wait3A_32 = tpu.memref_slice %arg6[%mul3A_2, %dma_wait3A_31] : memref<8192x16xf32, #tpu.memory_space<hbm>> -> memref<256x16xf32, #tpu.memory_space<hbm>>
      tpu.wait_dma2 semaphore(%run_scoped3A : memref<!tpu.dma_semaphore, #tpu.memory_space<semaphore_mem>>) src(%arg12 : memref<256x16xf32, #tpu.memory_space<vmem>>) dst(%dma_wait3A_32 : memref<256x16xf32, #tpu.memory_space<hbm>>)
      tpu.yield
    }) : () -> ()
    "tpu.region"() ({
      %run_scoped3A = tpu.sem_alloc : memref<!tpu.dma_semaphore, #tpu.memory_space<semaphore_mem>>
      %dma_start3A_25 = arith.constant 0 : i32
      %dma_start3A_26 = tpu.memref_slice %arg7[%mul3A_2, %dma_start3A_25] : memref<8192x16xf32, #tpu.memory_space<hbm>> -> memref<256x16xf32, #tpu.memory_space<hbm>>
      %dma_start3A_27 = arith.constant 0 : i32
      %dma_start3A_28 = tpu.memref_slice %arg7[%mul3A_2, %dma_start3A_27] : memref<8192x16xf32, #tpu.memory_space<hbm>> -> memref<256x16xf32, #tpu.memory_space<hbm>>
      tpu.enqueue_dma source(%arg13 : memref<256x16xf32, #tpu.memory_space<vmem>>) target(%dma_start3A_28 : memref<256x16xf32, #tpu.memory_space<hbm>>) target_semaphore(%run_scoped3A : memref<!tpu.dma_semaphore, #tpu.memory_space<semaphore_mem>>)
      %dma_wait3A_29 = arith.constant 0 : i32
      %dma_wait3A_30 = tpu.memref_slice %arg7[%mul3A_2, %dma_wait3A_29] : memref<8192x16xf32, #tpu.memory_space<hbm>> -> memref<256x16xf32, #tpu.memory_space<hbm>>
      %dma_wait3A_31 = arith.constant 0 : i32
      %dma_wait3A_32 = tpu.memref_slice %arg7[%mul3A_2, %dma_wait3A_31] : memref<8192x16xf32, #tpu.memory_space<hbm>> -> memref<256x16xf32, #tpu.memory_space<hbm>>
      tpu.wait_dma2 semaphore(%run_scoped3A : memref<!tpu.dma_semaphore, #tpu.memory_space<semaphore_mem>>) src(%arg13 : memref<256x16xf32, #tpu.memory_space<vmem>>) dst(%dma_wait3A_32 : memref<256x16xf32, #tpu.memory_space<hbm>>)
      tpu.yield
    }) : () -> ()
    return
  }
}

module attributes {stable_mosaic.version = 14 : i64} {
  func.func @_loss_body(%arg0: memref<8192x16xf32, #tpu.memory_space<vmem>>, %arg1: memref<8192x16xf32, #tpu.memory_space<vmem>>, %arg2: memref<1x1xf32, #tpu.memory_space<vmem>>) attributes {dimension_semantics = [], scalar_prefetch = 0 : i64, scratch_operands = 0 : i64, tpu.core_type = #tpu.core_type<tc>} {
    %get3A = arith.constant 0 : index
    %get3A_0 = arith.constant 0 : index
    %get3A_1 = vector.load %arg0[%get3A, %get3A_0] : memref<8192x16xf32, #tpu.memory_space<vmem>>, vector<8192x16xf32>
    %reduce_sum3A = arith.constant dense<0.000000e+00> : vector<8192xf32>
    %reduce_sum3A_2 = vector.multi_reduction <add>, %get3A_1, %reduce_sum3A [1] : vector<8192x16xf32> to vector<8192xf32>
    %broadcast_in_dim3A = vector.shape_cast %reduce_sum3A_2 : vector<8192xf32> to vector<8192x1xf32>
    %log3A = math.log %broadcast_in_dim3A : vector<8192x1xf32>
    %reduce_sum3A_3 = vector.shape_cast %log3A : vector<8192x1xf32> to vector<1x8192x1xf32>
    %reduce_sum3A_4 = arith.constant dense<0.000000e+00> : vector<1xf32>
    %reduce_sum3A_5 = vector.multi_reduction <add>, %reduce_sum3A_3, %reduce_sum3A_4 [1, 2] : vector<1x8192x1xf32> to vector<1xf32>
    %reduce_sum3A_6 = vector.shape_cast %reduce_sum3A_5 : vector<1xf32> to vector<1x1x1xf32>
    %reduce_sum3A_7 = vector.extract %reduce_sum3A_6[0, 0, 0] : f32 from vector<1x1x1xf32>
    %get3A_8 = arith.constant 0 : index
    %get3A_9 = arith.constant 0 : index
    %get3A_10 = vector.load %arg1[%get3A_8, %get3A_9] : memref<8192x16xf32, #tpu.memory_space<vmem>>, vector<8192x16xf32>
    %reduce_sum3A_11 = vector.shape_cast %get3A_10 : vector<8192x16xf32> to vector<1x8192x16xf32>
    %reduce_sum3A_12 = arith.constant dense<0.000000e+00> : vector<1xf32>
    %reduce_sum3A_13 = vector.multi_reduction <add>, %reduce_sum3A_11, %reduce_sum3A_12 [1, 2] : vector<1x8192x16xf32> to vector<1xf32>
    %reduce_sum3A_14 = vector.shape_cast %reduce_sum3A_13 : vector<1xf32> to vector<1x1x1xf32>
    %reduce_sum3A_15 = vector.extract %reduce_sum3A_14[0, 0, 0] : f32 from vector<1x1x1xf32>
    %sub3A = arith.subf %reduce_sum3A_7, %reduce_sum3A_15 : f32
    %div3A = arith.constant 8.192000e+03 : f32
    %div3A_16 = arith.divf %sub3A, %div3A : f32
    %broadcast_in_dim3A_17 = vector.broadcast %div3A_16 : f32 to vector<1x1xf32>
    %swap3A = arith.constant 0 : index
    %swap3A_18 = arith.constant 0 : index
    %swap3A_19 = vector.load %arg2[%swap3A, %swap3A_18] : memref<1x1xf32, #tpu.memory_space<vmem>>, vector<1x1xf32>
    tpu.vector_store %arg2[%swap3A, %swap3A_18], %broadcast_in_dim3A_17 {strides = array<i32>} : memref<1x1xf32, #tpu.memory_space<vmem>>, vector<1x1xf32>,
    return
  }
}

</mosaic_0001>

<sc_bundles>
// kernel: kernel.4.cloned.1.call-start
scs
__scs_entry_jumppad:
0x0: {  	(pc) =	sbr.rel $0x88, $3  }
0x1: {  	(tag) =	ssettag $0x0;
	lr =	simm.s32 $0x1  }
0x2: {  	[smem:$0x3F9E] =	sst lr;
	_ =	strace $0xD0000000  }
0x3: {  	_ = 	snop  }
0x4: {  	_ = 	snop  }
0x5: {  	_ = 	snop  }
0x6: {  	_ = 	snop  }
0x7: {  	_ = 	snop  }
__scs_overlays_trampoline_lowered:
0x8: {  	[smem:$0x3FAD] =	sst s0  }
0x9: {  	[smem:$0x3FAE] =	sst s1  }
0xa: {  	[smem:$0x3FAF] =	sst s2  }
0xb: {  	[smem:$0x3FB0] =	sst s3  }
0xc: {  	[smem:$0x3FB1] =	sst s4  }
0xd: {  	[smem:$0x3FB2] =	sst s5  }
0xe: {  	[smem:$0x3FB3] =	sst s6  }
0xf: {  	[smem:$0x3FB4] =	sst s7  }
0x10: {  	[smem:$0x3FB5] =	sst s8  }
0x11: {  	[smem:$0x3FB6] =	sst s9;
	s0 =	simm.s32 @!p0 $0x0  }
0x12: {  	s1 =	sld [smem:$0x3F9C];
	s0 =	simm.s32 @p0 $0x1  }
0x13: {  	[smem:$0x3FB7] =	sst s0;
	s0 =	simm.s32 @!p1 $0x0  }
0x14: {  	s2 =	sld [smem:$0x3F9B];
	s0 =	simm.s32 @p1 $0x1  }
0x15: {  	[smem:$0x3FB8] =	sst s0;
	s0 =	simm.s32 @!p2 $0x0  }
0x16: {  	s3 =	sld [smem:$0x3FDB];
	s0 =	simm.s32 @p2 $0x1  }
0x17: {  	s4 =	simm.s32 $0x1BF5;
	[smem:$0x3FBA] =	sst s0  }
0x18: {  	s0 =	sld [smem:$0x3F9D];
	_ =	swait.ge [sflag:s4], $0x0  }
0x19: {  	s7 =	sld [smem:$0x3F9E]  }
0x1a: {  	s8 =	sadd.s32 $0xFFFFE003, lr  }
0x1b: {  	s9 =	sadd.s32 $0xFFFFFEF7, lr;
	s5 =	simm.s32 $0xFFFFFFFF;
	p2 =	slt.u32 s8, $0xFFFFF086  }
0x1c: {  	p1 =	slt.u32 s9, $0xF7A;
	s5 =	simm.s32 @!p2 $0x0  }
0x1d: {  	s5 =	simm.s32 @p1 $0x1;
	p0 =	seq.s32 s7, s2  }
0x1e: {  	s7 =	smul.u32 @!p0 $0xF7A, s2;
	p2 =	seq.s32 @!p0 s5, $0x0  }
0x1f: {  	s9 =	smul.u32 $0xF7A, s1;
	s8 =	simm.s32 @!p0 $0x1BF5;
	p2 =	por !p2, p0  }
0x20: {  	[sflag:s8] =	ssyncset.s32 @!p0 $0xFFFFF086;
	s6 =	sadd.s32 @!p0 s3, s7;
	s7 =	simm.s32 @!p0 $0x108  }
0x21: {  	s3 =	sadd.s32 s3, s9;
	s6 =	sadd.s32 @!p0 $0x88, s6;
	s7 =	simm.s32 @p2 $0x1082  }
0x22: {  	[simem:s7], [sflag:s8] =	dma.local @!p0 [hbm:s6], $0xF7A  }
0x23: {  	s9 =	sor.u32 $0xD0000000, s2;
	s6 =	simm.s32 $0x108;
	_ =	swait.ge @!p0 [sflag:s8], $0x0  }
0x24: {  	s3 =	sadd.s32 $0x88, s3;
	s6 =	simm.s32 @!p1 $0x1082;
	[sflag:s4] =	ssyncset.s32 $0xFFFFF086  }
0x25: {  	[simem:s6], [sflag:s4] =	dma.local [hbm:s3], $0xF7A  }
0x26: {  	[smem:$0x3F9E] =	sst s1;
	(tag) =	ssettag s2;
	_ =	strace s9  }
0x27: {  	s1 =	sld [smem:$0x3FAE]  }
0x28: {  	s2 =	sld [smem:$0x3FAF]  }
0x29: {  	s4 =	sld [smem:$0x3FB1]  }
0x2a: {  	p0 =	seq.s32 s5, $0x0;
	s5 =	sld [smem:$0x3FB2]  }
0x2b: {  	s6 =	sld [smem:$0x3FB3]  }
0x2c: {  	s7 =	sld [smem:$0x3FB4]  }
0x2d: {  	s3 =	simm.s32 $0x108;
	s8 =	sld [smem:$0x3FB5]  }
0x2e: {  	s3 =	simm.s32 @!p0 $0x1082;
	s9 =	sld [smem:$0x3FB6]  }
0x2f: {  	lr =	sadd.s32 s0, s3;
	s0 =	sld [smem:$0x3FAD]  }
0x30: {  	s3 =	sld [smem:$0x3FB0]  }
0x31: {  	[smem:$0x3FB9] =	sst s10  }
0x32: {  	s10 =	sld [smem:$0x3FB7];
	_ =	sdelay $0x3  }
0x33: {  	p0 =	seq.s32 s10, $0x1;
	s10 =	sld [smem:$0x3FB9];
	_ =	sdelay $0x3  }
0x34: {  	[smem:$0x3FB9] =	sst s10  }
0x35: {  	s10 =	sld [smem:$0x3FB8];
	_ =	sdelay $0x3  }
0x36: {  	p1 =	seq.s32 s10, $0x1;
	s10 =	sld [smem:$0x3FB9];
	_ =	sdelay $0x3  }
0x37: {  	[smem:$0x3FB9] =	sst s10  }
0x38: {  	s10 =	sld [smem:$0x3FBA]  }
0x39: {  	_ = 	snop;
	(pc) =	sbr.ind lr, $3  }
0x3a: {  	_ = 	snop  }
0x3b: {  	_ = 	snop  }
0x3c: {  	p2 =	seq.s32 s10, $0x1;
	s10 =	sld [smem:$0x3FB9]  }
0x3d: {  	_ =	shalt  }
0x3e: {  	_ =	shalt  }
0x3f: {  	_ =	shalt  }
0x40: {  	_ =	shalt  }
0x41: {  	_ =	shalt  }
0x42: {  	_ =	shalt  }
0x43: {  	_ =	shalt  }
0x44: {  	_ =	shalt  }
0x45: {  	_ =	shalt  }
0x46: {  	_ =	shalt  }
0x47: {  	_ =	shalt  }
0x48: {  	_ =	shalt  }
0x49: {  	_ =	shalt  }
0x4a: {  	_ =	shalt  }
0x4b: {  	_ =	shalt  }
0x4c: {  	_ =	shalt  }
0x4d: {  	_ =	shalt  }
0x4e: {  	_ =	shalt  }
0x4f: {  	_ =	shalt  }
0x50: {  	_ =	shalt  }
0x51: {  	_ =	shalt  }
0x52: {  	_ =	shalt  }
0x53: {  	_ =	shalt  }
0x54: {  	_ =	shalt  }
0x55: {  	_ =	shalt  }
0x56: {  	_ =	shalt  }
0x57: {  	_ =	shalt  }
0x58: {  	_ =	shalt  }
0x59: {  	_ =	shalt  }
0x5a: {  	_ =	shalt  }
0x5b: {  	_ =	shalt  }
0x5c: {  	_ =	shalt  }
0x5d: {  	_ =	shalt  }
0x5e: {  	_ =	shalt  }
0x5f: {  	_ =	shalt  }
0x60: {  	_ =	shalt  }
0x61: {  	_ =	shalt  }
0x62: {  	_ =	shalt  }
0x63: {  	_ =	shalt  }
0x64: {  	_ =	shalt  }
0x65: {  	_ =	shalt  }
0x66: {  	_ =	shalt  }
0x67: {  	_ =	shalt  }
0x68: {  	_ =	shalt  }
0x69: {  	_ =	shalt  }
0x6a: {  	_ =	shalt  }
0x6b: {  	_ =	shalt  }
0x6c: {  	_ =	shalt  }
0x6d: {  	_ =	shalt  }
0x6e: {  	_ =	shalt  }
0x6f: {  	_ =	shalt  }
0x70: {  	_ =	shalt  }
0x71: {  	_ =	shalt  }
0x72: {  	_ =	shalt  }
0x73: {  	_ =	shalt  }
0x74: {  	_ =	shalt  }
0x75: {  	_ =	shalt  }
0x76: {  	_ =	shalt  }
0x77: {  	_ =	shalt  }
0x78: {  	_ =	shalt  }
0x79: {  	_ =	shalt  }
0x7a: {  	_ =	shalt  }
0x7b: {  	_ =	shalt  }
0x7c: {  	_ =	shalt  }
0x7d: {  	_ =	shalt  }
0x7e: {  	_ =	shalt  }
0x7f: {  	_ =	shalt  }
0x80: {  	_ =	shalt  }
0x81: {  	_ =	shalt  }
0x82: {  	_ =	shalt  }
0x83: {  	_ =	shalt  }
0x84: {  	_ =	shalt  }
0x85: {  	_ =	shalt  }
0x86: {  	_ =	shalt  }
0x87: {  	_ =	shalt  }
.Lfunc_end0:
.L_simem_size_0:
called_computation_lowered:
.L_overlay_start_0:
0x88: {  	s2 =	sld [smem:$0x3FD9]  }
0x89: {  	s3 =	sld [smem:$0x3FFE];
	_ =	sdelay $0x1  }
0x8a: {  	s1 =	srdreg.scid  }
0x8b: {  	s0 =	sand.u32 $0x1, s1  }
0x8c: {  	s14 =	sshll.u32 s0, $0xA;
	s2 =	sadd.s32 s3, s2  }
0x8d: {  	s2 =	sadd.s32 s2, s14  }
0x8e: {  	[smem:$0x3FC5] =	sst s2  }
0x8f: {  	_ = 	snop  }
0x90: {  	s2 =	sld [smem:$0x3FD0];
	_ =	sdelay $0x2  }
0x91: {  	s4 =	simm.s32 $0xA;
	s5 =	simm.s32 $0x10;
	s15 =	sld [smem:$0x3FC7]  }
0x92: {  	[smem:s5], [sflag:s4] =	dma.local [hbm:s2], $0x1  }
0x93: {  	_ =	swait.eq [sflag:s4], $0x1  }
0x94: {  	[sflag:s4] =	ssyncset.done $0x0  }
0x95: {  	[sflag:s4] =	ssyncadd.s32 $0xFFFFFFFF  }
0x96: {  	s16 =	sld [smem:$0x10];
	(tm) =	ssettm $0x1  }
0x97: {  	s17 =	sld [smem:$0x3FFB];
	_ =	sdelay $0x3  }
0x98: {  	_ =	strace s17  }
0x99: {  	s4 =	sld [smem:$0x3FFC];
	_ =	sdelay $0x3  }
0x9a: {  	_ =	strace s4  }
0x9b: {  	s4 =	sld [smem:$0x3FFD];
	_ =	sdelay $0x3  }
0x9c: {  	_ =	strace s4  }
0x9d: {  	_ =	strace $0x8FFFFFFF  }
0x9e: {  	s18 =	sld [smem:$0x3FDB];
	_ =	sdelay $0x1  }
0x9f: {  	s19 =	simm.s32 $_scs_section_size  }
0xa0: {  	s6 =	simm.s32 $_size__tile_overlayer_lowered;
	s7 =	simm.s32 $_tile_overlayer_lowered  }
0xa1: {  	s22 =	simm.s32 $0x1BFF;
	s21 =	sshll.u32 s7, $0x1;
	s4 =	sadd.s32 s19, s18  }
0xa2: {  	s8 =	simm.s32 $0x0;
	s20 =	sshll.u32 s6, $0x1;
	s6 =	sadd.s32 s21, s4  }
0xa3: {  	[timem:s8], [sflag:s22] =	dma.local [hbm:s6], s20  }
0xa4: {  	_ =	swait.ge [sflag:s22], s20  }
0xa5: {  	s5 =	ssub.s32 $0x0, s20;
	[sflag:s22] =	ssyncset.done $0x0  }
0xa6: {  	[sflag:s22] =	ssyncadd.s32 s5;
	_ =	sdelay $0x1  }
0xa7: {  	s23 =	simm.s32 $0x1B8B  }
0xa8: {  	_ =	swait.ge [sflag:s23], $0x1  }
0xa9: {  	[sflag:s23] =	ssyncset.done $0x0  }
0xaa: {  	s25 =	simm.s32 $0x1B8E;
	s24 =	sld [smem:$0x3FFE];
	[sflag:s23] =	ssyncadd.s32 $0xFFFFFFFF  }
0xab: {  	s26 =	simm.s32 $execute0_lowered;
	[smem:$0x3FD2] =	sst s25  }
0xac: {  	s6 =	sshll.u32 s26, $0x1;
	_ =	strace $0x80000046;
	[dreg:$0x1] =	wrdreg $0xFFFFFFFF  }
0xad: {  	s28 =	simm.s32 $_size_execute0_lowered;
	s4 =	sadd.s32 s4, s6;
	[dreg:$0x0] =	wrdreg $0x0  }
0xae: {  	s6 =	sshll.u32 s28, $0x1;
	[dreg:$0x2] =	wrdreg s4  }
0xaf: {  	[dreg:$0x3] =	wrdreg s6  }
0xb0: {  	[dreg:$0x4] =	wrdreg $0xC0  }
0xb1: {  	_ =	task [dreg:s8], $0x5FFFF  }
0xb2: {  	[dreg:$0x1] =	wrdreg $0xFFFFFFFF  }
0xb3: {  	[dreg:$0x0] =	wrdreg $0x60  }
0xb4: {  	[dreg:$0x2] =	wrdreg s24  }
0xb5: {  	[dreg:$0x3] =	wrdreg s15  }
0xb6: {  	[dreg:$0x4] =	wrdreg s16  }
0xb7: {  	[dreg:$0x5] =	wrdreg $0x9  }
0xb8: {  	_ =	task.clear_ibuf [dreg:s8], $0x6FFFF;
	_ =	strace $0x90000046  }
0xb9: {  	s29 =	simm.s32 $0x9;
	_ =	strace $0x80000048  }
0xba: {  	_ =	swait.ge [sflag:s29], $0x1  }
0xbb: {  	[sflag:s29] =	ssyncadd.s32 $0xFFFFFFFF  }
0xbc: {  	_ =	strace $0x90000048  }
0xbd: {  	_ =	sfence  }
0xbe: {  	s30 =	sld [smem:$0x0];
	_ =	sdelay $0x2  }
0xbf: {  	s31 =	sshll.u32 s1, $0xD;
	s1 =	sshrl.u32 s1, $0x2  }
0xc0: {  	s3 =	sand.u32 $0x4000, s31;
	s1 =	sadd.s32 s1, s30  }
0xc1: {  	s0 =	sor.u32 s3, s0;
	s1 =	sshll.u32 s1, $0x11  }
0xc2: {  	s0 =	sor.u32 s1, s0  }
0xc3: {  	s0 =	sadd.s32 $0x8F2B, s0  }
0xc4: {  	[sflag:s0] =	ssyncadd.remote.s32 $0x1  }
0xc5: {  	_ =	sfence.sel $0xFFFF  }
0xc6: {  	[dreg:$0x0] =	wrdreg $0xFFFFFFFF;
	(pc) =	sbr.abs _section_cstart, $3  }
0xc7: {  	[dreg:$0x1] =	wrdreg $0xFFFFFFFF  }
0xc8: {  	_ =	task.clear_ibuf [dreg:s8], $0x2FFFF;
	_ =	strace $0x9FFFFFFF  }
0xc9: {  	(tm) =	ssettm $0x7FFFFFFF  }
tec
execute0_lowered:
.L_overlay_start_1:
0x0: {  	(tag) =	ssettag $0x1  }
0x1: {  	s0 =	rddreg [dreg:$0x0]  }
0x2: {  	s2 =	rddreg [dreg:$0x1]  }
0x3: {  	s3 =	rddreg [dreg:$0x2]  }
0x4: {  	s1 =	srdreg.scid;
	s5 =	stileid.u32  }
0x5: {  	s4 =	simm.s32 $0x0;
	s20 =	simm.s32 $0x8000;
	s29 =	simm.s32 $0xC000  }
0x6: {  	s19 =	simm.s32 $0xE800;
	s21 =	simm.s32 $0xF000;
	s22 =	simm.s32 $0xF800  }
0x7: {  	s23 =	simm.s32 $0x1;
	s24 =	simm.s32 $0x100;
	s25 =	simm.s32 $0x400  }
0x8: {  	s28 =	simm.s32 $0x2;
	s15 =	simm.s32 $0x0;
	s1 =	sand.u32 $0x1, s1  }
0x9: {  	s5 =	sshll.u32 s5, $0x1;
	[smem:$0x7FF] =	sst s4;
	s9 =	sadd.s32 $0x800, s2  }
0xa: {  	s10 =	sadd.s32 $0xC00, s2;
	s11 =	sadd.s32 $0x1000, s2;
	s12 =	sadd.s32 $0x1400, s2  }
0xb: {  	s13 =	sadd.s32 $0x1800, s2;
	s14 =	sadd.s32 $0x1C00, s2;
	s5 =	sor.u32 s1, s5  }
0xc: {  	_ =	strace $0x80000047;
	s1 =	ssub.s32 $0x2, s1;
	s6 =	sshll.u32 s5, $0xB  }
0xd: {  	s7 =	sshll.u32 s5, $0xC;
	s8 =	sshrl.u32 s1, $0x1;
	s6 =	sadd.s32 s6, s0  }
0xe: {  	s5 =	sshll.u32 s5, $0x12;
	s0 =	sadd.s32 s7, s0;
	s26 =	sadd.s32 $0xC00, s6  }
0xf: {  	s1 =	ssub.s32 s1, s8;
	s6 =	sadd.s32 $0x10C00, s6;
	[dreg:$0x4] =	wrdreg s26  }
0x10: {  	s8 =	sadd.s32 $0x400, s2;
	s30 =	sadd.s32 $0x20C00, s0;
	[dreg:$0x5] =	wrdreg s6  }
0x11: {  	v0 =	vlaneseq.u32;
	s7 =	simm.s32 $0x5;
	s0 =	sadd.s32 $0x40C00, s0;
	[dreg:$0x6] =	wrdreg s30  }
0x12: {  	v2 =	vshrl.u32 v0, $0x1;
	s31 =	smax.u32 s1, $0x1;
	s1 =	simm.s32 $0xE000;
	[dreg:$0x7] =	wrdreg s0  }
0x13: {  	vm0 =	vmmov $0xffff;
	v1 =	vand.u32 $0x1, v0;
	v2 =	vmul.u32 $0x8, v2;
	[dreg:$0x8] =	wrdreg s31;
	s0 =	simm.s32 $0xD800;
	s26 =	simm.s32 $0x3  }
.LBB2_1:
0x14: {  	[dreg:$0x9] =	wrdreg s15  }
0x15: {  	s6 =	rddreg [dreg:$0x4]  }
0x16: {  	[tilespmem:s4], [sflag:$0x5] =	stream.linear.gather [hbm4b:s6+s4], $0x4000, $0x38;
	v63 =	vld [tilespmem:$0x0]  }
0x17: {  	_ =	swait.ge [sflag:s7], $0x4000  }
0x18: {  	[sflag:s7] =	ssyncset.done $0x0  }
0x19: {  	s31 =	simm.s32 $0x4000;
	s30 =	rddreg [dreg:$0x5];
	[sflag:s7] =	ssyncadd.s32 $0xFFFFC000  }
0x1a: {  	[tilespmem:s31], [sflag:$0x5] =	stream.linear.gather [hbm4b:s30+s4], $0x4000, $0x38;
	v63 =	vld [tilespmem:$0x0]  }
0x1b: {  	_ =	swait.ge [sflag:s7], $0x4000  }
0x1c: {  	[sflag:s7] =	ssyncset.done $0x0  }
0x1d: {  	[sflag:s7] =	ssyncadd.s32 $0xFFFFC000  }
0x1e: {  	v3 =	vld.msk [tilespmem:$0x0], $0x3;
	_ =	sdelay $0x4  }
0x1f: {  	v4 =	vshll.u32 v3, $0x6  }
0x20: {  	v3 =	vand.u32 $0x7, v3;
	v4 =	vand.u32 $0xFFFFFE00, v4  }
0x21: {  	v3 =	vor.u32 v3, v4  }
0x22: {  	v3 =	vperm.xlane v3, v1;
	_ =	sdelay $0x1  }
0x23: {  	v3 =	vadd.s32 v2, v3;
	_ =	sdelay $0x4  }
0x24: {  	[tilespmem:s20], [sflag:$0x1] =	stream.indirect_vreg.gather [hbm4b:s2+s4], $0x80, v3, vm0, $0xb8;
	v63 =	vld [tilespmem:$0x0]  }
0x25: {  	s7 =	simm.s32 $0x8800  }
0x26: {  	[tilespmem:s7], [sflag:$0x1] =	stream.indirect_vreg.gather [hbm4b:s8+s4], $0x80, v3, vm0, $0xb8;
	v63 =	vld [tilespmem:$0x0]  }
0x27: {  	s15 =	simm.s32 $0x9000  }
0x28: {  	[tilespmem:s15], [sflag:$0x1] =	stream.indirect_vreg.gather [hbm4b:s9+s4], $0x80, v3, vm0, $0xb8;
	v63 =	vld [tilespmem:$0x0]  }
0x29: {  	s16 =	simm.s32 $0x9800  }
0x2a: {  	[tilespmem:s16], [sflag:$0x1] =	stream.indirect_vreg.gather [hbm4b:s10+s4], $0x80, v3, vm0, $0xb8;
	v63 =	vld [tilespmem:$0x0]  }
0x2b: {  	s17 =	simm.s32 $0xA000  }
0x2c: {  	[tilespmem:s17], [sflag:$0x1] =	stream.indirect_vreg.gather [hbm4b:s11+s4], $0x80, v3, vm0, $0xb8;
	v63 =	vld [tilespmem:$0x0]  }
0x2d: {  	s18 =	simm.s32 $0xA800  }
0x2e: {  	[tilespmem:s18], [sflag:$0x1] =	stream.indirect_vreg.gather [hbm4b:s12+s4], $0x80, v3, vm0, $0xb8;
	v63 =	vld [tilespmem:$0x0]  }
0x2f: {  	s30 =	simm.s32 $0xB000  }
0x30: {  	[tilespmem:s30], [sflag:$0x1] =	stream.indirect_vreg.gather [hbm4b:s13+s4], $0x80, v3, vm0, $0xb8;
	v63 =	vld [tilespmem:$0x0]  }
0x31: {  	s31 =	simm.s32 $0xB800;
	s15 =	simm.s32 $0x0  }
0x32: {  	[tilespmem:s31], [sflag:$0x1] =	stream.indirect_vreg.gather [hbm4b:s14+s4], $0x80, v3, vm0, $0xb8;
	v63 =	vld [tilespmem:$0x0]  }
.LBB2_2:
0x33: {  	p0 =	seq.s32 s15, $0x0  }
0x34: {  	s6 =	simm.s32 @!p0 $0x4  }
0x35: {  	s7 =	sshll.u32 s15, $0x1;
	_ =	swait.ge @!p0 [sflag:s6], $0x4000  }
0x36: {  	s16 =	sor.u32 $0x1, s7;
	[sflag:s6] =	ssyncset.done @!p0 $0x0  }
0x37: {  	s17 =	sshll.u32 s16, $0x7;
	[sflag:s6] =	ssyncadd.s32 @!p0 $0xFFFFC000  }
0x38: {  	v3 =	vld.msk [tilespmem:s17+$0x0], $0x3;
	_ =	sdelay $0x4  }
0x39: {  	v4 =	vshll.u32 v3, $0x6  }
0x3a: {  	v3 =	vand.u32 $0x7, v3;
	v4 =	vand.u32 $0xFFFFFE00, v4  }
0x3b: {  	v3 =	vor.u32 v3, v4  }
0x3c: {  	v3 =	vperm.xlane v3, v1;
	_ =	sdelay $0x1  }
0x3d: {  	v3 =	vadd.s32 v2, v3;
	_ =	sdelay $0x4  }
0x3e: {  	[tilespmem:s29], [sflag:$0x2] =	stream.indirect_vreg.gather [hbm4b:s2+s4], $0x80, v3, vm0, $0xb8;
	v63 =	vld [tilespmem:$0x0]  }
0x3f: {  	s7 =	simm.s32 $0xC800  }
0x40: {  	[tilespmem:s7], [sflag:$0x2] =	stream.indirect_vreg.gather [hbm4b:s8+s4], $0x80, v3, vm0, $0xb8;
	v63 =	vld [tilespmem:$0x0]  }
0x41: {  	s18 =	simm.s32 $0xD000  }
0x42: {  	[tilespmem:s18], [sflag:$0x2] =	stream.indirect_vreg.gather [hbm4b:s9+s4], $0x80, v3, vm0, $0xb8;
	v63 =	vld [tilespmem:$0x0]  }
0x43: {  	_ = 	snop  }
0x44: {  	[tilespmem:s0], [sflag:$0x2] =	stream.indirect_vreg.gather [hbm4b:s10+s4], $0x80, v3, vm0, $0xb8;
	v63 =	vld [tilespmem:$0x0]  }
0x45: {  	_ = 	snop  }
0x46: {  	[tilespmem:s1], [sflag:$0x2] =	stream.indirect_vreg.gather [hbm4b:s11+s4], $0x80, v3, vm0, $0xb8;
	v63 =	vld [tilespmem:$0x0]  }
0x47: {  	_ = 	snop  }
0x48: {  	[tilespmem:s19], [sflag:$0x2] =	stream.indirect_vreg.gather [hbm4b:s12+s4], $0x80, v3, vm0, $0xb8;
	v63 =	vld [tilespmem:$0x0]  }
0x49: {  	_ = 	snop  }
0x4a: {  	[tilespmem:s21], [sflag:$0x2] =	stream.indirect_vreg.gather [hbm4b:s13+s4], $0x80, v3, vm0, $0xb8;
	v63 =	vld [tilespmem:$0x0]  }
0x4b: {  	_ = 	snop  }
0x4c: {  	[tilespmem:s22], [sflag:$0x2] =	stream.indirect_vreg.gather [hbm4b:s14+s4], $0x80, v3, vm0, $0xb8;
	v63 =	vld [tilespmem:$0x0]  }
0x4d: {  	_ =	swait.ge [sflag:s23], $0x4000  }
0x4e: {  	[sflag:s23] =	ssyncset.done $0x0  }
0x4f: {  	s30 =	simm.s32 $0x8080;
	[sflag:s23] =	ssyncadd.s32 $0xFFFFC000  }
0x50: {  	v3 =	vld [tilespmem:s30+$0xFFFFFF80]  }
0x51: {  	v4 =	vld [tilespmem:s30+$0x0]  }
0x52: {  	v5 =	vld [tilespmem:s30+$0xFFFFFF90]  }
0x53: {  	v6 =	vld [tilespmem:s30+$0x10]  }
0x54: {  	v7 =	vld [tilespmem:s30+$0xFFFFFFA0]  }
0x55: {  	v8 =	vld [tilespmem:s30+$0x20];
	v3 =	vmul.f32 $1.442695020e+00, v3  }
0x56: {  	v4 =	vmul.f32 $1.442695020e+00, v4  }
0x57: {  	v9 =	vld [tilespmem:s30+$0xFFFFFFB0];
	v5 =	vmul.f32 $1.442695020e+00, v5;
	(erf) = vpow2.f32 v3  }
0x58: {  	v10 =	vld [tilespmem:s30+$0x30];
	v3 =	vmul.f32 $1.442695020e+00, v6;
	(erf) = vpow2.f32 v4  }
0x59: {  	v6 =	vld [tilespmem:s30+$0xFFFFFFC0];
	v4 =	vmul.f32 $1.442695020e+00, v7;
	(erf) = vpow2.f32 v5  }
0x5a: {  	v5 =	vmul.f32 $1.442695020e+00, v8;
	(erf) = vpow2.f32 v3  }
0x5b: {  	v7 =	vld [tilespmem:s30+$0x40];
	(erf) = vpow2.f32 v4  }
0x5c: {  	v8 =	vld [tilespmem:s30+$0xFFFFFFD0];
	v3 =	vmul.f32 $1.442695020e+00, v9;
	(erf) = vpow2.f32 v5  }
0x5d: {  	v9 =	vld [tilespmem:s30+$0x50];
	v4 =	vmul.f32 $1.442695020e+00, v10  }
0x5e: {  	v10 =	vld [tilespmem:s30+$0xFFFFFFE0];
	v5 =	vmul.f32 $1.442695020e+00, v6;
	(erf) = vpow2.f32 v3  }
0x5f: {  	v6 =	vld [tilespmem:s30+$0x60];
	(erf) = vpow2.f32 v4  }
0x60: {  	v3 =	vmul.f32 $1.442695020e+00, v7;
	v7 =	vld [tilespmem:s30+$0xFFFFFFF0];
	(erf) = vpow2.f32 v5;
	v5 =	vimm.f32 $0.0e+00;
	v12 =	vpop (erf)  }
0x61: {  	s31 =	simm.s32 $0x8180;
	v4 =	vmul.f32 $1.442695020e+00, v8;
	v8 =	vld [tilespmem:s30+$0x70];
	v12 =	vadd.f32 v12, v5;
	v13 =	vpop (erf)  }
0x62: {  	v11 =	vld [tilespmem:s31+$0xFFFFFF80];
	v9 =	vmul.f32 $1.442695020e+00, v9;
	(erf) = vpow2.f32 v3;
	v5 =	vadd.f32 v13, v5;
	v13 =	vpop (erf)  }
0x63: {  	v3 =	vld [tilespmem:s31+$0x0];
	v10 =	vmul.f32 $1.442695020e+00, v10;
	(erf) = vpow2.f32 v4;
	v12 =	vadd.f32 v13, v12;
	v13 =	vpop (erf)  }
0x64: {  	v4 =	vld [tilespmem:s31+$0xFFFFFF90];
	v6 =	vmul.f32 $1.442695020e+00, v6;
	(erf) = vpow2.f32 v9;
	v5 =	vadd.f32 v13, v5;
	v13 =	vpop (erf)  }
0x65: {  	v9 =	vld [tilespmem:s31+$0x10];
	v7 =	vmul.f32 $1.442695020e+00, v7;
	(erf) = vpow2.f32 v10;
	v12 =	vadd.f32 v13, v12;
	v13 =	vpop (erf)  }
0x66: {  	v10 =	vld [tilespmem:s31+$0xFFFFFFA0];
	v8 =	vmul.f32 $1.442695020e+00, v8;
	(erf) = vpow2.f32 v6;
	v5 =	vadd.f32 v13, v5  }
0x67: {  	v6 =	vmul.f32 $1.442695020e+00, v11;
	v11 =	vld [tilespmem:s31+$0x20];
	(erf) = vpow2.f32 v7  }
0x68: {  	v3 =	vmul.f32 $1.442695020e+00, v3;
	v7 =	vld [tilespmem:s31+$0xFFFFFFB0];
	v13 =	vpop (erf);
	(erf) = vpow2.f32 v8  }
0x69: {  	v4 =	vmul.f32 $1.442695020e+00, v4;
	(erf) = vpow2.f32 v6;
	v6 =	vadd.f32 v13, v12;
	v12 =	vpop (erf)  }
0x6a: {  	(erf) = vpow2.f32 v3;
	v3 =	vadd.f32 v12, v5;
	v5 =	vpop (erf)  }
0x6b: {  	v8 =	vld [tilespmem:s31+$0x30];
	(erf) = vpow2.f32 v4;
	v4 =	vadd.f32 v5, v6  }
0x6c: {  	v9 =	vmul.f32 $1.442695020e+00, v9;
	v13 =	vld [tilespmem:s31+$0xFFFFFFC0];
	v6 =	vmul.f32 $1.442695020e+00, v11  }
0x6d: {  	v10 =	vmul.f32 $1.442695020e+00, v10;
	v12 =	vld [tilespmem:s31+$0x40];
	v7 =	vmul.f32 $1.442695020e+00, v7;
	v5 =	vpop (erf)  }
0x6e: {  	(erf) = vpow2.f32 v9;
	v11 =	vld [tilespmem:s31+$0xFFFFFFD0];
	v9 =	vadd.f32 v5, v3;
	v3 =	vpop (erf)  }
0x6f: {  	(erf) = vpow2.f32 v10;
	v5 =	vld [tilespmem:s31+$0x50];
	v10 =	vadd.f32 v3, v4;
	v4 =	vpop (erf)  }
0x70: {  	v8 =	vmul.f32 $1.442695020e+00, v8;
	(erf) = vpow2.f32 v6;
	v3 =	vld [tilespmem:s31+$0xFFFFFFE0];
	v14 =	vadd.f32 v4, v9;
	v6 =	vpop (erf)  }
0x71: {  	v13 =	vmul.f32 $1.442695020e+00, v13;
	(erf) = vpow2.f32 v7;
	v4 =	vld [tilespmem:s31+$0x60];
	v15 =	vadd.f32 v6, v10;
	v7 =	vpop (erf)  }
0x72: {  	(erf) = vpow2.f32 v8;
	v9 =	vmul.f32 $1.442695020e+00, v12;
	v6 =	vld [tilespmem:s31+$0xFFFFFFF0];
	v10 =	vadd.f32 v7, v14;
	v12 =	vpop (erf)  }
0x73: {  	s6 =	simm.s32 $0x8;
	s18 =	simm.s32 $0x8280;
	v8 =	vmul.f32 $1.442695020e+00, v11;
	(erf) = vpow2.f32 v13;
	v7 =	vld [tilespmem:s31+$0x70];
	v11 =	vadd.f32 v12, v15;
	v12 =	vpop (erf)  }
.LBB2_3:
0x74: {  	v13 =	vld [tilespmem:s18+$0xFFFFFF80];
	s6 =	sadd.s32 $0x8, s6;
	v5 =	vmul.f32 $1.442695020e+00, v5;
	v14 =	vpop (erf);
	(erf) = vpow2.f32 v9;
	v9 =	vadd.f32 v12, v10  }
0x75: {  	v10 =	vld [tilespmem:s18+$0x0];
	p0 =	slt.u32 s6, $0x1F8;
	v11 =	vadd.f32 v14, v11;
	v3 =	vmul.f32 $1.442695020e+00, v3;
	v12 =	vpop (erf);
	(erf) = vpow2.f32 v8  }
0x76: {  	v8 =	vld [tilespmem:s18+$0xFFFFFF90];
	v9 =	vadd.f32 v12, v9;
	v4 =	vmul.f32 $1.442695020e+00, v4;
	v12 =	vpop (erf);
	(erf) = vpow2.f32 v5  }
0x77: {  	v5 =	vld [tilespmem:s18+$0x10];
	v11 =	vadd.f32 v12, v11;
	v6 =	vmul.f32 $1.442695020e+00, v6;
	v12 =	vpop (erf);
	(erf) = vpow2.f32 v3  }
0x78: {  	v3 =	vld [tilespmem:s18+$0xFFFFFFA0];
	v9 =	vadd.f32 v12, v9;
	v7 =	vmul.f32 $1.442695020e+00, v7;
	v12 =	vpop (erf);
	(erf) = vpow2.f32 v4  }
0x79: {  	v4 =	vmul.f32 $1.442695020e+00, v13;
	v13 =	vld [tilespmem:s18+$0x20];
	v14 =	vadd.f32 v12, v11;
	v12 =	vpop (erf);
	(erf) = vpow2.f32 v6  }
0x7a: {  	v6 =	vmul.f32 $1.442695020e+00, v10;
	v10 =	vld [tilespmem:s18+$0xFFFFFFB0];
	v15 =	vadd.f32 v12, v9;
	v12 =	vpop (erf);
	(erf) = vpow2.f32 v7  }
0x7b: {  	v16 =	vmul.f32 $1.442695020e+00, v8;
	v8 =	vld [tilespmem:s18+$0x30];
	(erf) = vpow2.f32 v4;
	v4 =	vadd.f32 v12, v14;
	v11 =	vpop (erf)  }
0x7c: {  	v5 =	vmul.f32 $1.442695020e+00, v5;
	v12 =	vld [tilespmem:s18+$0xFFFFFFC0];
	(erf) = vpow2.f32 v6;
	v6 =	vadd.f32 v11, v15;
	v9 =	vpop (erf)  }
0x7d: {  	v3 =	vmul.f32 $1.442695020e+00, v3;
	v11 =	vld [tilespmem:s18+$0x40];
	(erf) = vpow2.f32 v16;
	v14 =	vadd.f32 v9, v4;
	v7 =	vpop (erf)  }
0x7e: {  	v9 =	vmul.f32 $1.442695020e+00, v13;
	v13 =	vld [tilespmem:s18+$0xFFFFFFD0];
	(erf) = vpow2.f32 v5;
	v15 =	vadd.f32 v7, v6;
	v7 =	vpop (erf)  }
.Ltmp0:
0x7f: {  	v10 =	vmul.f32 $1.442695020e+00, v10;
	v5 =	vld [tilespmem:s18+$0x50];
	(erf) = vpow2.f32 v3;
	v16 =	vadd.f32 v7, v14;
	v4 =	vpop (erf);
	(pc) =	sbr.rel @p0 .LBB2_3-.Ltmp0, $4  }
0x80: {  	v8 =	vmul.f32 $1.442695020e+00, v8;
	v3 =	vld [tilespmem:s18+$0xFFFFFFE0];
	(erf) = vpow2.f32 v9;
	v14 =	vadd.f32 v4, v15;
	v6 =	vpop (erf)  }
0x81: {  	v17 =	vmul.f32 $1.442695020e+00, v12;
	v4 =	vld [tilespmem:s18+$0x60];
	(erf) = vpow2.f32 v10;
	v15 =	vadd.f32 v6, v16;
	v7 =	vpop (erf)  }
0x82: {  	v9 =	vmul.f32 $1.442695020e+00, v11;
	v6 =	vld [tilespmem:s18+$0xFFFFFFF0];
	(erf) = vpow2.f32 v8;
	v10 =	vadd.f32 v7, v14;
	v11 =	vpop (erf)  }
0x83: {  	v8 =	vmul.f32 $1.442695020e+00, v13;
	v7 =	vld [tilespmem:s18+$0x70];
	s18 =	sadd.s32 $0x100, s18;
	(erf) = vpow2.f32 v17;
	v11 =	vadd.f32 v11, v15;
	v12 =	vpop (erf)  }
0x84: {  	(erf) = vpow2.f32 v9;
	v9 =	vadd.f32 v12, v10;
	_ =	sdelay $0x1  }
0x85: {  	v13 =	vpop (erf)  }
0x86: {  	v5 =	vmul.f32 $1.442695020e+00, v5;
	v10 =	vadd.f32 v13, v11;
	v11 =	vpop (erf)  }
0x87: {  	(erf) = vpow2.f32 v8;
	v8 =	vadd.f32 v11, v9;
	v9 =	vpop (erf)  }
0x88: {  	v3 =	vmul.f32 $1.442695020e+00, v3;
	(erf) = vpow2.f32 v5;
	v5 =	vadd.f32 v9, v10  }
0x89: {  	v4 =	vmul.f32 $1.442695020e+00, v4  }
0x8a: {  	v6 =	vmul.f32 $1.442695020e+00, v6;
	(erf) = vpow2.f32 v3;
	v9 =	vpop (erf)  }
0x8b: {  	v7 =	vmul.f32 $1.442695020e+00, v7;
	(erf) = vpow2.f32 v4;
	v3 =	vadd.f32 v9, v8;
	v8 =	vpop (erf)  }
0x8c: {  	(erf) = vpow2.f32 v6;
	v4 =	vadd.f32 v8, v5;
	v5 =	vpop (erf)  }
0x8d: {  	(erf) = vpow2.f32 v7;
	v3 =	vadd.f32 v5, v3;
	v5 =	vpop (erf)  }
0x8e: {  	v4 =	vadd.f32 v5, v4;
	v5 =	vpop (erf)  }
0x8f: {  	v3 =	vadd.f32 v5, v3;
	v5 =	vpop (erf)  }
0x90: {  	v4 =	vadd.f32 v5, v4;
	v5 =	vpop (erf)  }
0x91: {  	v3 =	vadd.f32 v5, v3;
	v5 =	vpop (erf)  }
0x92: {  	v4 =	vadd.f32 v5, v4;
	v5 =	vpop (erf)  }
0x93: {  	v3 =	vadd.f32 v5, v3;
	v5 =	vpop (erf)  }
0x94: {  	v4 =	vadd.f32 v5, v4;
	v5 =	vpop (erf)  }
0x95: {  	v3 =	vadd.f32 v5, v3;
	v5 =	vpop (erf)  }
0x96: {  	v4 =	vadd.f32 v5, v4;
	v5 =	vpop (erf)  }
0x97: {  	s7 =	sshll.u32 s15, $0x9;
	v3 =	vadd.f32 v5, v3  }
0x98: {  	s18 =	sshll.u32 s15, $0xA;
	[tilespmem:s7+$0x10000] =	vst v4  }
0x99: {  	s6 =	sshrl.u32 s18, $0x2;
	[tilespmem:s7+$0x10080] =	vst v3  }
0x9a: {  	v3 =	vld [tilespmem:s6+$0x4000];
	_ =	sdelay $0x4  }
0x9b: {  	(v2sf) =	vpush v3, $0x0;
	_ =	sdelay $0x6  }
0x9c: {  	(v2sf) =	vpush v3, $0x1;
	_ =	sdelay $0x7  }
0x9d: {  	s6 =	spop (v2sf)  }
0x9e: {  	s30 =	sshll.u32 s6, $0x1  }
0x9f: {  	s31 =	sand.u32 $0x70, s6;
	s30 =	sand.u32 $0xFFFFFF00, s30  }
0xa0: {  	s30 =	sor.u32 s31, s30  }
0xa1: {  	v3 =	vld [tilespmem:s30+$0x8000];
	_ =	sdelay $0x1  }
0xa2: {  	s6 =	sand.u32 $0xF, s6  }
0xa3: {  	v4 =	vmov s6;
	s6 =	spop (v2sf)  }
0xa4: {  	vm1 =	veq.s32 v4, v0;
	s30 =	sshll.u32 s6, $0x1  }
0xa5: {  	s31 =	sand.u32 $0x70, s6;
	s30 =	sand.u32 $0xFFFFFF00, s30;
	v3 =	vnsel vm1, $0x0, v3  }
0xa6: {  	s30 =	sor.u32 s31, s30;
	[tilespmem:s7+$0x18000] =	vst v3  }
0xa7: {  	v3 =	vld [tilespmem:s30+$0x8080];
	_ =	sdelay $0x1  }
0xa8: {  	s6 =	sand.u32 $0xF, s6  }
0xa9: {  	v4 =	vmov s6;
	s6 =	sshll.u32 s15, $0xC;
	s31 =	sshll.u32 s15, $0x6  }
0xaa: {  	s6 =	sand.u32 $0x3E000, s6;
	vm1 =	veq.s32 v4, v0;
	s30 =	sand.u32 $0x40, s31  }
0xab: {  	s6 =	sor.u32 s5, s6;
	s30 =	sadd.s32 s3, s30;
	v3 =	vnsel vm1, $0x0, v3  }
0xac: {  	s31 =	sadd.s32 s6, s30;
	[tilespmem:s7+$0x18080] =	vst v3  }
0xad: {  	[hbm4b:s31+s24] =	stream.strided.scatter [tilespmem:s20], [sflag:$0x3], $0x4000, s25, s24, $0x38;
	v63 =	vld [tilespmem:$0x0]  }
0xae: {  	_ =	swait.ge [sflag:s26], $0x4000  }
0xaf: {  	p0 =	seq.s32 s15, $0x3F;
	[sflag:s26] =	ssyncset.done $0x0  }
0xb0: {  	s7 =	sshrl.u32 @!p0 s18, $0x2;
	[sflag:s26] =	ssyncadd.s32 $0xFFFFC000  }
0xb1: {  	v3 =	vld.msk @!p0 [tilespmem:s7+$0x100], $0x3;
	_ =	sdelay $0x4  }
0xb2: {  	v4 =	vshll.u32 @!p0 v3, $0x6  }
0xb3: {  	v5 =	vlaneseq.u32 @!p0;
	v3 =	vand.u32 @!p0 $0x7, v3;
	v4 =	vand.u32 @!p0 $0xFFFFFE00, v4  }
0xb4: {  	v3 =	vor.u32 @!p0 v3, v4;
	v4 =	vand.u32 @!p0 $0x1, v5;
	v5 =	vshrl.u32 @!p0 v5, $0x1  }
0xb5: {  	v3 =	vperm.xlane @!p0 v3, v4;
	v4 =	vmul.u32 @!p0 $0x8, v5;
	_ =	sdelay $0x1  }
0xb6: {  	v3 =	vadd.s32 @!p0 v4, v3;
	_ =	sdelay $0x3  }
0xb7: {  	vm1 =	vmmov @!p0 $0xffff;
	s18 =	simm.s32 @!p0 $0x8000;
	s7 =	simm.s32 @!p0 $0x0  }
0xb8: {  	[tilespmem:s18], [sflag:$0x1] =	stream.indirect_vreg.gather @!p0 [hbm4b:s2+s7], $0x80, v3, vm1, $0xb8;
	v63 =	vld [tilespmem:$0x0]  }
0xb9: {  	s18 =	simm.s32 @!p0 $0x8800  }
0xba: {  	[tilespmem:s18], [sflag:$0x1] =	stream.indirect_vreg.gather @!p0 [hbm4b:s8+s7], $0x80, v3, vm1, $0xb8;
	v63 =	vld [tilespmem:$0x0]  }
0xbb: {  	s18 =	simm.s32 @!p0 $0x9000  }
0xbc: {  	[tilespmem:s18], [sflag:$0x1] =	stream.indirect_vreg.gather @!p0 [hbm4b:s9+s7], $0x80, v3, vm1, $0xb8;
	v63 =	vld [tilespmem:$0x0]  }
0xbd: {  	s18 =	simm.s32 @!p0 $0x9800  }
0xbe: {  	[tilespmem:s18], [sflag:$0x1] =	stream.indirect_vreg.gather @!p0 [hbm4b:s10+s7], $0x80, v3, vm1, $0xb8;
	v63 =	vld [tilespmem:$0x0]  }
0xbf: {  	s18 =	simm.s32 @!p0 $0xA000  }
0xc0: {  	[tilespmem:s18], [sflag:$0x1] =	stream.indirect_vreg.gather @!p0 [hbm4b:s11+s7], $0x80, v3, vm1, $0xb8;
	v63 =	vld [tilespmem:$0x0]  }
0xc1: {  	s18 =	simm.s32 @!p0 $0xA800  }
0xc2: {  	[tilespmem:s18], [sflag:$0x1] =	stream.indirect_vreg.gather @!p0 [hbm4b:s12+s7], $0x80, v3, vm1, $0xb8;
	v63 =	vld [tilespmem:$0x0]  }
0xc3: {  	s18 =	simm.s32 @!p0 $0xB000  }
0xc4: {  	[tilespmem:s18], [sflag:$0x1] =	stream.indirect_vreg.gather @!p0 [hbm4b:s13+s7], $0x80, v3, vm1, $0xb8;
	v63 =	vld [tilespmem:$0x0]  }
0xc5: {  	s18 =	simm.s32 @!p0 $0xB800  }
0xc6: {  	[tilespmem:s18], [sflag:$0x1] =	stream.indirect_vreg.gather @!p0 [hbm4b:s14+s7], $0x80, v3, vm1, $0xb8;
	v63 =	vld [tilespmem:$0x0]  }
0xc7: {  	_ =	swait.ge [sflag:s28], $0x4000  }
0xc8: {  	[sflag:s28] =	ssyncset.done $0x0  }
0xc9: {  	s30 =	simm.s32 $0xC080;
	[sflag:s28] =	ssyncadd.s32 $0xFFFFC000  }
0xca: {  	v3 =	vld [tilespmem:s30+$0xFFFFFF80]  }
0xcb: {  	v4 =	vld [tilespmem:s30+$0x0]  }
0xcc: {  	v5 =	vld [tilespmem:s30+$0xFFFFFF90]  }
0xcd: {  	v6 =	vld [tilespmem:s30+$0x10]  }
0xce: {  	v7 =	vld [tilespmem:s30+$0xFFFFFFA0]  }
0xcf: {  	v8 =	vld [tilespmem:s30+$0x20];
	v3 =	vmul.f32 $1.442695020e+00, v3  }
0xd0: {  	v4 =	vmul.f32 $1.442695020e+00, v4  }
0xd1: {  	v9 =	vld [tilespmem:s30+$0xFFFFFFB0];
	v5 =	vmul.f32 $1.442695020e+00, v5;
	(erf) = vpow2.f32 v3  }
0xd2: {  	v10 =	vld [tilespmem:s30+$0x30];
	v3 =	vmul.f32 $1.442695020e+00, v6;
	(erf) = vpow2.f32 v4  }
0xd3: {  	v6 =	vld [tilespmem:s30+$0xFFFFFFC0];
	v4 =	vmul.f32 $1.442695020e+00, v7;
	(erf) = vpow2.f32 v5  }
0xd4: {  	v5 =	vmul.f32 $1.442695020e+00, v8;
	(erf) = vpow2.f32 v3  }
0xd5: {  	v7 =	vld [tilespmem:s30+$0x40];
	(erf) = vpow2.f32 v4  }
0xd6: {  	v8 =	vld [tilespmem:s30+$0xFFFFFFD0];
	v3 =	vmul.f32 $1.442695020e+00, v9;
	(erf) = vpow2.f32 v5  }
0xd7: {  	v9 =	vld [tilespmem:s30+$0x50];
	v4 =	vmul.f32 $1.442695020e+00, v10  }
0xd8: {  	v10 =	vld [tilespmem:s30+$0xFFFFFFE0];
	v5 =	vmul.f32 $1.442695020e+00, v6;
	(erf) = vpow2.f32 v3  }
0xd9: {  	v6 =	vld [tilespmem:s30+$0x60];
	(erf) = vpow2.f32 v4  }
0xda: {  	v3 =	vmul.f32 $1.442695020e+00, v7;
	v7 =	vld [tilespmem:s30+$0xFFFFFFF0];
	(erf) = vpow2.f32 v5;
	v5 =	vimm.f32 $0.0e+00;
	v12 =	vpop (erf)  }
0xdb: {  	s31 =	simm.s32 $0xC180;
	v4 =	vmul.f32 $1.442695020e+00, v8;
	v8 =	vld [tilespmem:s30+$0x70];
	v12 =	vadd.f32 v12, v5;
	v13 =	vpop (erf)  }
0xdc: {  	v11 =	vld [tilespmem:s31+$0xFFFFFF80];
	v9 =	vmul.f32 $1.442695020e+00, v9;
	(erf) = vpow2.f32 v3;
	v5 =	vadd.f32 v13, v5;
	v13 =	vpop (erf)  }
0xdd: {  	v3 =	vld [tilespmem:s31+$0x0];
	v10 =	vmul.f32 $1.442695020e+00, v10;
	(erf) = vpow2.f32 v4;
	v12 =	vadd.f32 v13, v12;
	v13 =	vpop (erf)  }
0xde: {  	v4 =	vld [tilespmem:s31+$0xFFFFFF90];
	v6 =	vmul.f32 $1.442695020e+00, v6;
	(erf) = vpow2.f32 v9;
	v5 =	vadd.f32 v13, v5;
	v13 =	vpop (erf)  }
0xdf: {  	v9 =	vld [tilespmem:s31+$0x10];
	v7 =	vmul.f32 $1.442695020e+00, v7;
	(erf) = vpow2.f32 v10;
	v12 =	vadd.f32 v13, v12;
	v13 =	vpop (erf)  }
0xe0: {  	v10 =	vld [tilespmem:s31+$0xFFFFFFA0];
	v8 =	vmul.f32 $1.442695020e+00, v8;
	(erf) = vpow2.f32 v6;
	v5 =	vadd.f32 v13, v5  }
0xe1: {  	v6 =	vmul.f32 $1.442695020e+00, v11;
	v11 =	vld [tilespmem:s31+$0x20];
	(erf) = vpow2.f32 v7  }
0xe2: {  	v3 =	vmul.f32 $1.442695020e+00, v3;
	v7 =	vld [tilespmem:s31+$0xFFFFFFB0];
	v13 =	vpop (erf);
	(erf) = vpow2.f32 v8  }
0xe3: {  	v4 =	vmul.f32 $1.442695020e+00, v4;
	(erf) = vpow2.f32 v6;
	v6 =	vadd.f32 v13, v12;
	v12 =	vpop (erf)  }
0xe4: {  	(erf) = vpow2.f32 v3;
	v3 =	vadd.f32 v12, v5;
	v5 =	vpop (erf)  }
0xe5: {  	v8 =	vld [tilespmem:s31+$0x30];
	(erf) = vpow2.f32 v4;
	v4 =	vadd.f32 v5, v6  }
0xe6: {  	v9 =	vmul.f32 $1.442695020e+00, v9;
	v13 =	vld [tilespmem:s31+$0xFFFFFFC0];
	v6 =	vmul.f32 $1.442695020e+00, v11  }
0xe7: {  	v10 =	vmul.f32 $1.442695020e+00, v10;
	v12 =	vld [tilespmem:s31+$0x40];
	v7 =	vmul.f32 $1.442695020e+00, v7;
	v5 =	vpop (erf)  }
0xe8: {  	(erf) = vpow2.f32 v9;
	v11 =	vld [tilespmem:s31+$0xFFFFFFD0];
	v9 =	vadd.f32 v5, v3;
	v3 =	vpop (erf)  }
0xe9: {  	(erf) = vpow2.f32 v10;
	v5 =	vld [tilespmem:s31+$0x50];
	v10 =	vadd.f32 v3, v4;
	v4 =	vpop (erf)  }
0xea: {  	v8 =	vmul.f32 $1.442695020e+00, v8;
	(erf) = vpow2.f32 v6;
	v3 =	vld [tilespmem:s31+$0xFFFFFFE0];
	v14 =	vadd.f32 v4, v9;
	v6 =	vpop (erf)  }
0xeb: {  	v13 =	vmul.f32 $1.442695020e+00, v13;
	(erf) = vpow2.f32 v7;
	v4 =	vld [tilespmem:s31+$0x60];
	v15 =	vadd.f32 v6, v10;
	v7 =	vpop (erf)  }
0xec: {  	(erf) = vpow2.f32 v8;
	v9 =	vmul.f32 $1.442695020e+00, v12;
	v6 =	vld [tilespmem:s31+$0xFFFFFFF0];
	v10 =	vadd.f32 v7, v14;
	v12 =	vpop (erf)  }
0xed: {  	s18 =	simm.s32 $0x8;
	s7 =	simm.s32 $0xC280;
	v8 =	vmul.f32 $1.442695020e+00, v11;
	(erf) = vpow2.f32 v13;
	v7 =	vld [tilespmem:s31+$0x70];
	v11 =	vadd.f32 v12, v15;
	v12 =	vpop (erf)  }
.LBB2_5:
0xee: {  	v13 =	vld [tilespmem:s7+$0xFFFFFF80];
	s18 =	sadd.s32 $0x8, s18;
	v5 =	vmul.f32 $1.442695020e+00, v5;
	v14 =	vpop (erf);
	(erf) = vpow2.f32 v9;
	v9 =	vadd.f32 v12, v10  }
0xef: {  	v10 =	vld [tilespmem:s7+$0x0];
	p0 =	slt.u32 s18, $0x1F8;
	v11 =	vadd.f32 v14, v11;
	v3 =	vmul.f32 $1.442695020e+00, v3;
	v12 =	vpop (erf);
	(erf) = vpow2.f32 v8  }
0xf0: {  	v8 =	vld [tilespmem:s7+$0xFFFFFF90];
	v9 =	vadd.f32 v12, v9;
	v4 =	vmul.f32 $1.442695020e+00, v4;
	v12 =	vpop (erf);
	(erf) = vpow2.f32 v5  }
0xf1: {  	v5 =	vld [tilespmem:s7+$0x10];
	v11 =	vadd.f32 v12, v11;
	v6 =	vmul.f32 $1.442695020e+00, v6;
	v12 =	vpop (erf);
	(erf) = vpow2.f32 v3  }
0xf2: {  	v3 =	vld [tilespmem:s7+$0xFFFFFFA0];
	v9 =	vadd.f32 v12, v9;
	v7 =	vmul.f32 $1.442695020e+00, v7;
	v12 =	vpop (erf);
	(erf) = vpow2.f32 v4  }
0xf3: {  	v4 =	vmul.f32 $1.442695020e+00, v13;
	v13 =	vld [tilespmem:s7+$0x20];
	v14 =	vadd.f32 v12, v11;
	v12 =	vpop (erf);
	(erf) = vpow2.f32 v6  }
0xf4: {  	v6 =	vmul.f32 $1.442695020e+00, v10;
	v10 =	vld [tilespmem:s7+$0xFFFFFFB0];
	v15 =	vadd.f32 v12, v9;
	v12 =	vpop (erf);
	(erf) = vpow2.f32 v7  }
0xf5: {  	v16 =	vmul.f32 $1.442695020e+00, v8;
	v8 =	vld [tilespmem:s7+$0x30];
	(erf) = vpow2.f32 v4;
	v4 =	vadd.f32 v12, v14;
	v11 =	vpop (erf)  }
0xf6: {  	v5 =	vmul.f32 $1.442695020e+00, v5;
	v12 =	vld [tilespmem:s7+$0xFFFFFFC0];
	(erf) = vpow2.f32 v6;
	v6 =	vadd.f32 v11, v15;
	v9 =	vpop (erf)  }
0xf7: {  	v3 =	vmul.f32 $1.442695020e+00, v3;
	v11 =	vld [tilespmem:s7+$0x40];
	(erf) = vpow2.f32 v16;
	v14 =	vadd.f32 v9, v4;
	v7 =	vpop (erf)  }
0xf8: {  	v9 =	vmul.f32 $1.442695020e+00, v13;
	v13 =	vld [tilespmem:s7+$0xFFFFFFD0];
	(erf) = vpow2.f32 v5;
	v15 =	vadd.f32 v7, v6;
	v7 =	vpop (erf)  }
.Ltmp1:
0xf9: {  	v10 =	vmul.f32 $1.442695020e+00, v10;
	v5 =	vld [tilespmem:s7+$0x50];
	(erf) = vpow2.f32 v3;
	v16 =	vadd.f32 v7, v14;
	v4 =	vpop (erf);
	(pc) =	sbr.rel @p0 .LBB2_5-.Ltmp1, $4  }
0xfa: {  	v8 =	vmul.f32 $1.442695020e+00, v8;
	v3 =	vld [tilespmem:s7+$0xFFFFFFE0];
	(erf) = vpow2.f32 v9;
	v14 =	vadd.f32 v4, v15;
	v6 =	vpop (erf)  }
0xfb: {  	v17 =	vmul.f32 $1.442695020e+00, v12;
	v4 =	vld [tilespmem:s7+$0x60];
	(erf) = vpow2.f32 v10;
	v15 =	vadd.f32 v6, v16;
	v7 =	vpop (erf)  }
0xfc: {  	v9 =	vmul.f32 $1.442695020e+00, v11;
	v6 =	vld [tilespmem:s7+$0xFFFFFFF0];
	(erf) = vpow2.f32 v8;
	v10 =	vadd.f32 v7, v14;
	v11 =	vpop (erf)  }
0xfd: {  	v8 =	vmul.f32 $1.442695020e+00, v13;
	v7 =	vld [tilespmem:s7+$0x70];
	s7 =	sadd.s32 $0x100, s7;
	(erf) = vpow2.f32 v17;
	v11 =	vadd.f32 v11, v15;
	v12 =	vpop (erf)  }
0xfe: {  	v5 =	vmul.f32 $1.442695020e+00, v5;
	v13 =	vpop (erf);
	(erf) = vpow2.f32 v9;
	v41 =	vadd.f32 v12, v10  }
0xff: {  	v42 =	vadd.f32 v13, v11;
	v3 =	vmul.f32 $1.442695020e+00, v3;
	v43 =	vpop (erf);
	(erf) = vpow2.f32 v8  }
0x100: {  	v44 =	vadd.f32 v43, v41;
	v4 =	vmul.f32 $1.442695020e+00, v4;
	v45 =	vpop (erf);
	(erf) = vpow2.f32 v5  }
0x101: {  	v46 =	vadd.f32 v45, v42;
	v6 =	vmul.f32 $1.442695020e+00, v6;
	v47 =	vpop (erf);
	(erf) = vpow2.f32 v3  }
0x102: {  	v3 =	vadd.f32 v47, v44;
	v7 =	vmul.f32 $1.442695020e+00, v7;
	v48 =	vpop (erf);
	(erf) = vpow2.f32 v4  }
0x103: {  	v49 =	vadd.f32 v48, v46;
	v50 =	vpop (erf);
	(erf) = vpow2.f32 v6  }
0x104: {  	v3 =	vadd.f32 v50, v3;
	v51 =	vpop (erf);
	(erf) = vpow2.f32 v7  }
0x105: {  	v4 =	vadd.f32 v51, v49;
	v52 =	vpop (erf)  }
0x106: {  	v3 =	vadd.f32 v52, v3;
	v53 =	vpop (erf)  }
0x107: {  	v4 =	vadd.f32 v53, v4;
	v54 =	vpop (erf)  }
0x108: {  	v3 =	vadd.f32 v54, v3;
	v55 =	vpop (erf)  }
0x109: {  	v4 =	vadd.f32 v55, v4;
	v56 =	vpop (erf)  }
0x10a: {  	v3 =	vadd.f32 v56, v3;
	v57 =	vpop (erf)  }
0x10b: {  	v4 =	vadd.f32 v57, v4;
	v58 =	vpop (erf)  }
0x10c: {  	v3 =	vadd.f32 v58, v3;
	v59 =	vpop (erf)  }
0x10d: {  	v4 =	vadd.f32 v59, v4;
	v60 =	vpop (erf)  }
0x10e: {  	s7 =	sshll.u32 s16, $0x8;
	v3 =	vadd.f32 v60, v3  }
0x10f: {  	[tilespmem:s7+$0x10000] =	vst v4  }
0x110: {  	[tilespmem:s7+$0x10080] =	vst v3  }
0x111: {  	v3 =	vld [tilespmem:s17+$0x4000];
	_ =	sdelay $0x4  }
0x112: {  	(v2sf) =	vpush v3, $0x0;
	_ =	sdelay $0x6  }
0x113: {  	(v2sf) =	vpush v3, $0x1;
	_ =	sdelay $0x7  }
0x114: {  	s31 =	spop (v2sf)  }
0x115: {  	s18 =	sshll.u32 s31, $0x1  }
0x116: {  	s30 =	sand.u32 $0x70, s31;
	s18 =	sand.u32 $0xFFFFFF00, s18  }
0x117: {  	s18 =	sor.u32 s30, s18  }
0x118: {  	v3 =	vld [tilespmem:s18+$0xC000];
	_ =	sdelay $0x1  }
0x119: {  	s17 =	sand.u32 $0xF, s31  }
0x11a: {  	v61 =	vmov s17;
	s17 =	spop (v2sf)  }
0x11b: {  	vm1 =	veq.s32 v61, v0;
	s18 =	sshll.u32 s17, $0x1  }
0x11c: {  	s31 =	sand.u32 $0x70, s17;
	s18 =	sand.u32 $0xFFFFFF00, s18;
	v3 =	vnsel vm1, $0x0, v3  }
0x11d: {  	s18 =	sor.u32 s31, s18;
	[tilespmem:s7+$0x18000] =	vst v3  }
0x11e: {  	v3 =	vld [tilespmem:s18+$0xC080]  }
0x11f: {  	s15 =	sadd.s32 $0x1, s15  }
0x120: {  	p0 =	sne.s32 s15, $0x40;
	s17 =	sand.u32 $0xF, s17  }
.Ltmp2:
0x121: {  	v62 =	vmov s17;
	(pc) =	sbr.rel @p0 .LBB2_2-.Ltmp2, $4  }
0x122: {  	s31 =	sshll.u32 s16, $0x5;
	vm1 =	veq.s32 v62, v0  }
0x123: {  	s6 =	sadd.s32 s3, s6;
	s16 =	sand.u32 $0x60, s31;
	v3 =	vnsel vm1, $0x0, v3  }
0x124: {  	s6 =	sadd.s32 s16, s6;
	[tilespmem:s7+$0x18080] =	vst v3  }
0x125: {  	[hbm4b:s6+s24] =	stream.strided.scatter [tilespmem:s29], [sflag:$0x4], $0x4000, s25, s24, $0x38;
	v63 =	vld [tilespmem:$0x0]  }
0x126: {  	s6 =	simm.s32 $0x4  }
0x127: {  	_ =	swait.ge [sflag:s6], $0x4000  }
0x128: {  	[sflag:s6] =	ssyncset.done $0x0  }
0x129: {  	s7 =	simm.s32 $0x10000;
	s17 =	rddreg [dreg:$0x6];
	[sflag:s6] =	ssyncadd.s32 $0xFFFFC000  }
0x12a: {  	[hbm4b:s17+s4] =	stream.linear.scatter [tilespmem:s7], [sflag:$0x5], $0x8000, $0x38;
	v63 =	vld [tilespmem:$0x0]  }
0x12b: {  	s7 =	simm.s32 $0x5  }
0x12c: {  	_ =	swait.ge [sflag:s7], $0x8000  }
0x12d: {  	[sflag:s7] =	ssyncset.done $0x0  }
0x12e: {  	s15 =	simm.s32 $0x18000;
	s18 =	rddreg [dreg:$0x7];
	[sflag:s7] =	ssyncadd.s32 $0xFFFF8000  }
0x12f: {  	[hbm4b:s18+s4] =	stream.linear.scatter [tilespmem:s15], [sflag:$0x5], $0x8000, $0x38;
	v63 =	vld [tilespmem:$0x0]  }
0x130: {  	_ =	swait.ge [sflag:s7], $0x8000  }
0x131: {  	s30 =	rddreg [dreg:$0x9]  }
0x132: {  	s31 =	rddreg [dreg:$0x8];
	s15 =	sadd.s32 $0x1, s30  }
0x133: {  	p0 =	sne.s32 s15, s31  }
.Ltmp3:
0x134: {  	_ = 	snop;
	(pc) =	sbr.rel @p0 .LBB2_1-.Ltmp3, $3  }
0x135: {  	_ =	sdelay $0x1  }
0x136: {  	[sflag:s7] =	ssyncset.done $0x0  }
0x137: {  	[sflag:s7] =	ssyncadd.s32 $0xFFFF8000  }
0x138: {  	_ =	sfence.sel $0x180000  }
0x139: {  	[bflag:$0x0] =	sbarrier.arrive $0xFFFF  }
0x13a: {  	_ =	strace $0x90000047  }
0x13b: {  	s0 =	stileid.u32;
	[bflag:$0x2] =	sbarrier.arrive $0xFFFF  }
0x13c: {  	p0 =	sne.s32 s0, $0x0;
	s0 =	rddreg [dreg:$0x3]  }
0x13d: {  	s0 =	sadd.s32 @!p0 $0x100000, s0  }
0x13e: {  	[sflag:s0] =	ssyncadd.tile.s32 @!p0 $0x1;
	_ =	shalt  }
.Lfunc_end2:
_tile_overlayer_lowered:
.L_overlay_start_2:
0x13f: {  	(tag) =	ssettag $0x2  }
0x140: {  	s0 =	rddreg [dreg:$0x0];
	s2 =	stileid.u32  }
0x141: {  	s1 =	rddreg [dreg:$0x1];
	p0 =	sne.s32 s2, $0x0  }
0x142: {  	s3 =	rddreg [dreg:$0x2];
	[bflag:$0x3] =	sbarrier.arrive $0xFFFF;
	s2 =	simm.s32 @!p0 $0x1C05  }
0x143: {  	[timem:s3], [sflag:s2] =	dma.local @!p0 [hbm:s0], s1  }
0x144: {  	s0 =	simm.s32 @!p0 $0x5  }
0x145: {  	_ =	swait.ge @!p0 [sflag:s0], s1  }
0x146: {  	s1 =	ssub.s32 @!p0 $0x0, s1;
	[sflag:s0] =	ssyncset.done @!p0 $0x0  }
0x147: {  	[sflag:s0] =	ssyncadd.s32 @!p0 s1  }
0x148: {  	[bflag:$0x3] =	sbarrier.arrive $0xFFFF  }
0x149: {  	_ =	shalt  }

</sc_bundles>
